<compile_context>
chip_gen: v7x
topology: tpu7x:2x2x1
jax: 0.10.2.dev20260603
libtpu: 0.0.44.dev20260713+nightly
codegen_flags: <defaults>
</compile_context>

<pallas_src>
import functools

import jax
import jax.numpy as jnp
from jax import lax
from jax.experimental import pallas as pl
from jax.experimental.pallas import tpu as pltpu
from jax.experimental.pallas import tpu_sc as plsc

BATCH = 16384
D = 16
V_ID = 100001
V_GICS = 1001
LANES = 16
CHUNK = 4096
NCHUNK = BATCH // CHUNK


def _build(nc, ns):
    mesh = plsc.VectorSubcoreMesh(core_axis_name="c", subcore_axis_name="s")

    @functools.partial(
        pl.kernel,
        mesh=mesh,
        compiler_params=pltpu.CompilerParams(
            use_tc_tiling_on_sc=True, needs_layout_passes=False),
        out_type=jax.ShapeDtypeStruct((2 * D, BATCH), jnp.float32),
        scratch_types=[
            pltpu.VMEM((V_ID,), jnp.float32),
            pltpu.VMEM((V_GICS,), jnp.float32),
            pltpu.VMEM((BATCH,), jnp.int32),
            pltpu.VMEM((2, CHUNK), jnp.float32),
            pltpu.SemaphoreType.DMA,
            pltpu.SemaphoreType.DMA,
            pltpu.SemaphoreType.DMA,
            pltpu.SemaphoreType.DMA,
        ],
    )
    def k(id_hbm, gics_hbm, tid_hbm, tgics_hbm, out_hbm,
          src_id, src_gics, idx_v, out_v, s_tab, s_idx, s_o0, s_o1):
        wid = lax.axis_index("s") * nc + lax.axis_index("c")
        s_out = (s_o0, s_o1)

        def gather_all(src_ref):
            out_cp = [None, None]
            for c in range(NCHUNK):
                buf = c % 2
                if out_cp[buf] is not None:
                    out_cp[buf].wait()

                @plsc.parallel_loop(0, CHUNK, LANES, unroll=16)
                def _gather(g):
                    iv = idx_v[pl.ds(c * CHUNK + g, LANES)]
                    out_v[buf, pl.ds(g, LANES)] = plsc.load_gather(
                        src_ref, [iv])

                out_cp[buf] = pltpu.async_copy(
                    out_v.at[buf], out_hbm.at[wid, pl.ds(c * CHUNK, CHUNK)],
                    s_out[buf])
            for buf in range(2):
                out_cp[buf].wait()

        @pl.when(wid < D)
        def _():
            cp_t = pltpu.async_copy(tid_hbm.at[wid], src_id, s_tab)
            cp_i = pltpu.async_copy(id_hbm, idx_v, s_idx)
            cp_t.wait()
            cp_i.wait()
            gather_all(src_id)

        @pl.when(wid >= D)
        def _():
            cp_t = pltpu.async_copy(tgics_hbm.at[wid - D], src_gics, s_tab)
            cp_i = pltpu.async_copy(gics_hbm, idx_v, s_idx)
            cp_t.wait()
            cp_i.wait()
            gather_all(src_gics)

    return k


def kernel(item_id, item_gics, table_item_id, table_item_gics):
    info = plsc.get_sparse_core_info()
    k = _build(info.num_cores, info.num_subcores)
    out_t = k(item_id, item_gics, table_item_id.T, table_item_gics.T)
    return out_t.T

# --- scband reference (transcript-rebuilt; emitter-appended) ---
"""Pipeline reference for scband-item-model-5789615915651 (READ-ONLY COPY).

The authoritative reference and input builder live on the scoring server;
editing this copy changes nothing except your own understanding.
"""

import jax, jax.numpy as jnp
import numpy as np

NUM_ITEM_IDS = 100000
NUM_ITEM_GICS = 1000
EMBED_DIM = 16
BATCH = 16384


def setup_inputs(seed: int = 0) -> dict:
    key = jax.random.key(seed)
    k1, k2, k3, k4 = jax.random.split(key, 4)
    item_id = jax.random.randint(k1, (BATCH,), 0, NUM_ITEM_IDS + 1, dtype=jnp.int64 if jax.config.jax_enable_x64 else jnp.int32).astype(jnp.int32)
    item_gics = jax.random.randint(k2, (BATCH,), 0, NUM_ITEM_GICS + 1, dtype=jnp.int32)
    # Embedding tables: StringLookup maps strings -> [0, vocab], so table has vocab+1 rows
    # (index 0 is the OOV bucket in Keras StringLookup with mask_token=None)
    table_item_id = jax.random.normal(k3, (NUM_ITEM_IDS + 1, EMBED_DIM), dtype=jnp.float32) * 0.05
    table_item_gics = jax.random.normal(k4, (NUM_ITEM_GICS + 1, EMBED_DIM), dtype=jnp.float32) * 0.05
    return {
        "item_id": item_id,
        "item_gics": item_gics,
        "table_item_id": table_item_id,
        "table_item_gics": table_item_gics,
    }


def reference(item_id, item_gics, table_item_id, table_item_gics):
    # Faithful translation of ItemModel.call:
    # StringLookup is an integer-id mapping; here indices are already integerized.
    emb_id = jnp.take(table_item_id, item_id, axis=0)      # [B, 16]
    emb_gics = jnp.take(table_item_gics, item_gics, axis=0)  # [B, 16]
    return jnp.concatenate([emb_id, emb_gics], axis=1)       # [B, 32]

if __name__ == "__main__":
    import jax
    _d = setup_inputs()
    print(jax.jit(kernel)(*tuple(_d.values())))

</pallas_src>

<mosaic_0001>
#map = affine_map<(d0, d1) -> (0)>
#map1 = affine_map<(d0, d1) -> (0, 0)>
module attributes {stable_mosaic.version = 14 : i64} {
  func.func @k(%arg0: i32, %arg1: i32, %arg2: memref<16384xi32, #tpu.memory_space<hbm>>, %arg3: memref<16384xi32, #tpu.memory_space<hbm>>, %arg4: memref<16x100001xf32, #tpu.memory_space<hbm>>, %arg5: memref<16x1001xf32, #tpu.memory_space<hbm>>, %arg6: memref<32x16384xf32, #tpu.memory_space<hbm>>, %arg7: memref<100001xf32, #tpu.memory_space<vmem>>, %arg8: memref<1001xf32, #tpu.memory_space<vmem>>, %arg9: memref<16384xi32, #tpu.memory_space<vmem>>, %arg10: memref<2x4096xf32, #tpu.memory_space<vmem>>, %arg11: memref<!tpu.dma_semaphore, #tpu.memory_space<semaphore_mem>>, %arg12: memref<!tpu.dma_semaphore, #tpu.memory_space<semaphore_mem>>, %arg13: memref<!tpu.dma_semaphore, #tpu.memory_space<semaphore_mem>>, %arg14: memref<!tpu.dma_semaphore, #tpu.memory_space<semaphore_mem>>) attributes {dimension_semantics = [#tpu.dimension_semantics<core_parallel>, #tpu.dimension_semantics<subcore_parallel>], iteration_bounds = array<i64: 2, 16>, scalar_prefetch = 0 : i64, scratch_operands = 8 : i64, tpu.core_type = #tpu.core_type<sc_vector_subcore>, window_params = [{transform_indices = #map}, {transform_indices = #map}, {transform_indices = #map1}, {transform_indices = #map1}, {transform_indices = #map1}]} {
    %mul3A = arith.constant 2 : i32
    %mul3A_0 = arith.muli %arg1, %mul3A : i32
    %add3A = arith.addi %mul3A_0, %arg0 : i32
    %lt3A = arith.constant 16 : i32
    %lt3A_1 = arith.cmpi slt, %add3A, %lt3A : i32
    %convert_element_type3A = arith.extui %lt3A_1 : i1 to i32
    %cond3A = arith.constant 0 : i32
    %cond3A_2 = arith.cmpi ne, %convert_element_type3A, %cond3A : i32
    scf.if %cond3A_2 {
      %dma_start3A = arith.constant 0 : i32
      %dma_start3A_7 = tpu.memref_slice %arg4[%add3A, %dma_start3A] : memref<16x100001xf32, #tpu.memory_space<hbm>> -> memref<1x100001xf32, #tpu.memory_space<hbm>>
      %dma_start3A_8 = tpu.memref_squeeze %dma_start3A_7 : memref<1x100001xf32, #tpu.memory_space<hbm>> -> memref<100001xf32, #tpu.memory_space<hbm>>
      %dma_start3A_9 = arith.constant 0 : i32
      %dma_start3A_10 = tpu.memref_slice %arg4[%add3A, %dma_start3A_9] : memref<16x100001xf32, #tpu.memory_space<hbm>> -> memref<1x100001xf32, #tpu.memory_space<hbm>>
      %dma_start3A_11 = tpu.memref_squeeze %dma_start3A_10 : memref<1x100001xf32, #tpu.memory_space<hbm>> -> memref<100001xf32, #tpu.memory_space<hbm>>
      tpu.enqueue_dma source(%dma_start3A_11 : memref<100001xf32, #tpu.memory_space<hbm>>) target(%arg7 : memref<100001xf32, #tpu.memory_space<vmem>>) target_semaphore(%arg11 : memref<!tpu.dma_semaphore, #tpu.memory_space<semaphore_mem>>)
      tpu.enqueue_dma source(%arg2 : memref<16384xi32, #tpu.memory_space<hbm>>) target(%arg9 : memref<16384xi32, #tpu.memory_space<vmem>>) target_semaphore(%arg12 : memref<!tpu.dma_semaphore, #tpu.memory_space<semaphore_mem>>)
      %dma_wait3A = arith.constant 0 : i32
      %dma_wait3A_12 = tpu.memref_slice %arg4[%add3A, %dma_wait3A] : memref<16x100001xf32, #tpu.memory_space<hbm>> -> memref<1x100001xf32, #tpu.memory_space<hbm>>
      %dma_wait3A_13 = tpu.memref_squeeze %dma_wait3A_12 : memref<1x100001xf32, #tpu.memory_space<hbm>> -> memref<100001xf32, #tpu.memory_space<hbm>>
      %dma_wait3A_14 = arith.constant 0 : i32
      %dma_wait3A_15 = tpu.memref_slice %arg4[%add3A, %dma_wait3A_14] : memref<16x100001xf32, #tpu.memory_space<hbm>> -> memref<1x100001xf32, #tpu.memory_space<hbm>>
      %dma_wait3A_16 = tpu.memref_squeeze %dma_wait3A_15 : memref<1x100001xf32, #tpu.memory_space<hbm>> -> memref<100001xf32, #tpu.memory_space<hbm>>
      tpu.wait_dma2 semaphore(%arg11 : memref<!tpu.dma_semaphore, #tpu.memory_space<semaphore_mem>>) src(%dma_wait3A_16 : memref<100001xf32, #tpu.memory_space<hbm>>) dst(%arg7 : memref<100001xf32, #tpu.memory_space<vmem>>)
      tpu.wait_dma2 semaphore(%arg12 : memref<!tpu.dma_semaphore, #tpu.memory_space<semaphore_mem>>) src(%arg2 : memref<16384xi32, #tpu.memory_space<hbm>>) dst(%arg9 : memref<16384xi32, #tpu.memory_space<vmem>>)
      %parallel_loop3A = arith.constant 0 : i32
      %parallel_loop3A_17 = arith.constant 4096 : i32
      %parallel_loop3A_18 = arith.constant 16 : i32
      scf.for %parallel_loop3A_132 = %parallel_loop3A to %parallel_loop3A_17 step %parallel_loop3A_18  : i32 {
        %parallel_loop3A_133 = arith.constant 0 : i32
        %parallel_loop3A_134 = arith.addi %parallel_loop3A_133, %parallel_loop3A_132 : i32
        %parallel_loop3A_135 = arith.index_cast %parallel_loop3A_134 : i32 to index
        %parallel_loop3A_136 = tpu.vector_load %arg9[%parallel_loop3A_135] {strides = array<i32>} : memref<16384xi32, #tpu.memory_space<vmem>>, vector<16xi32>,
        %parallel_loop3A_137 = tpu.vector_load_idx %arg7[%parallel_loop3A_136] : memref<100001xf32, #tpu.memory_space<vmem>>[vector<16xi32>], vector<16xf32>,
        %parallel_loop3A_138 = arith.constant 0 : i32
        %parallel_loop3A_139 = arith.index_cast %parallel_loop3A_138 : i32 to index
        %parallel_loop3A_140 = arith.index_cast %parallel_loop3A_132 : i32 to index
        %parallel_loop3A_141 = tpu.vector_load %arg10[%parallel_loop3A_139, %parallel_loop3A_140] {strides = array<i32>} : memref<2x4096xf32, #tpu.memory_space<vmem>>, vector<16xf32>,
        tpu.vector_store %arg10[%parallel_loop3A_139, %parallel_loop3A_140], %parallel_loop3A_137 {strides = array<i32>} : memref<2x4096xf32, #tpu.memory_space<vmem>>, vector<16xf32>,
      } {sc.loop_unroll_factor = 16 : i64, sc.parallel_access}
      %dma_start3A_19 = arith.constant 0 : i32
      %dma_start3A_20 = arith.constant 0 : i32
      %dma_start3A_21 = tpu.memref_slice %arg10[%dma_start3A_19, %dma_start3A_20] : memref<2x4096xf32, #tpu.memory_space<vmem>> -> memref<1x4096xf32, #tpu.memory_space<vmem>>
      %dma_start3A_22 = tpu.memref_squeeze %dma_start3A_21 : memref<1x4096xf32, #tpu.memory_space<vmem>> -> memref<4096xf32, #tpu.memory_space<vmem>>
      %dma_start3A_23 = arith.constant 0 : i32
      %dma_start3A_24 = tpu.memref_slice %arg6[%add3A, %dma_start3A_23] : memref<32x16384xf32, #tpu.memory_space<hbm>> -> memref<1x4096xf32, #tpu.memory_space<hbm>>
      %dma_start3A_25 = tpu.memref_squeeze %dma_start3A_24 : memref<1x4096xf32, #tpu.memory_space<hbm>> -> memref<4096xf32, #tpu.memory_space<hbm>>
      %dma_start3A_26 = arith.constant 0 : i32
      %dma_start3A_27 = tpu.memref_slice %arg6[%add3A, %dma_start3A_26] : memref<32x16384xf32, #tpu.memory_space<hbm>> -> memref<1x4096xf32, #tpu.memory_space<hbm>>
      %dma_start3A_28 = tpu.memref_squeeze %dma_start3A_27 : memref<1x4096xf32, #tpu.memory_space<hbm>> -> memref<4096xf32, #tpu.memory_space<hbm>>
      %dma_start3A_29 = arith.constant 0 : i32
      %dma_start3A_30 = tpu.memref_slice %arg10[%dma_start3A_19, %dma_start3A_29] : memref<2x4096xf32, #tpu.memory_space<vmem>> -> memref<1x4096xf32, #tpu.memory_space<vmem>>
      %dma_start3A_31 = tpu.memref_squeeze %dma_start3A_30 : memref<1x4096xf32, #tpu.memory_space<vmem>> -> memref<4096xf32, #tpu.memory_space<vmem>>
      tpu.enqueue_dma source(%dma_start3A_31 : memref<4096xf32, #tpu.memory_space<vmem>>) target(%dma_start3A_28 : memref<4096xf32, #tpu.memory_space<hbm>>) target_semaphore(%arg13 : memref<!tpu.dma_semaphore, #tpu.memory_space<semaphore_mem>>)
      %parallel_loop3A_32 = arith.constant 0 : i32
      %parallel_loop3A_33 = arith.constant 4096 : i32
      %parallel_loop3A_34 = arith.constant 16 : i32
      scf.for %parallel_loop3A_132 = %parallel_loop3A_32 to %parallel_loop3A_33 step %parallel_loop3A_34  : i32 {
        %parallel_loop3A_133 = arith.constant 4096 : i32
        %parallel_loop3A_134 = arith.addi %parallel_loop3A_133, %parallel_loop3A_132 : i32
        %parallel_loop3A_135 = arith.index_cast %parallel_loop3A_134 : i32 to index
        %parallel_loop3A_136 = tpu.vector_load %arg9[%parallel_loop3A_135] {strides = array<i32>} : memref<16384xi32, #tpu.memory_space<vmem>>, vector<16xi32>,
        %parallel_loop3A_137 = tpu.vector_load_idx %arg7[%parallel_loop3A_136] : memref<100001xf32, #tpu.memory_space<vmem>>[vector<16xi32>], vector<16xf32>,
        %parallel_loop3A_138 = arith.constant 1 : i32
        %parallel_loop3A_139 = arith.index_cast %parallel_loop3A_138 : i32 to index
        %parallel_loop3A_140 = arith.index_cast %parallel_loop3A_132 : i32 to index
        %parallel_loop3A_141 = tpu.vector_load %arg10[%parallel_loop3A_139, %parallel_loop3A_140] {strides = array<i32>} : memref<2x4096xf32, #tpu.memory_space<vmem>>, vector<16xf32>,
        tpu.vector_store %arg10[%parallel_loop3A_139, %parallel_loop3A_140], %parallel_loop3A_137 {strides = array<i32>} : memref<2x4096xf32, #tpu.memory_space<vmem>>, vector<16xf32>,
      } {sc.loop_unroll_factor = 16 : i64, sc.parallel_access}
      %dma_start3A_35 = arith.constant 1 : i32
      %dma_start3A_36 = arith.constant 0 : i32
      %dma_start3A_37 = tpu.memref_slice %arg10[%dma_start3A_35, %dma_start3A_36] : memref<2x4096xf32, #tpu.memory_space<vmem>> -> memref<1x4096xf32, #tpu.memory_space<vmem>>
      %dma_start3A_38 = tpu.memref_squeeze %dma_start3A_37 : memref<1x4096xf32, #tpu.memory_space<vmem>> -> memref<4096xf32, #tpu.memory_space<vmem>>
      %dma_start3A_39 = arith.constant 4096 : i32
      %dma_start3A_40 = tpu.memref_slice %arg6[%add3A, %dma_start3A_39] : memref<32x16384xf32, #tpu.memory_space<hbm>> -> memref<1x4096xf32, #tpu.memory_space<hbm>>
      %dma_start3A_41 = tpu.memref_squeeze %dma_start3A_40 : memref<1x4096xf32, #tpu.memory_space<hbm>> -> memref<4096xf32, #tpu.memory_space<hbm>>
      %dma_start3A_42 = arith.constant 4096 : i32
      %dma_start3A_43 = tpu.memref_slice %arg6[%add3A, %dma_start3A_42] : memref<32x16384xf32, #tpu.memory_space<hbm>> -> memref<1x4096xf32, #tpu.memory_space<hbm>>
      %dma_start3A_44 = tpu.memref_squeeze %dma_start3A_43 : memref<1x4096xf32, #tpu.memory_space<hbm>> -> memref<4096xf32, #tpu.memory_space<hbm>>
      %dma_start3A_45 = arith.constant 0 : i32
      %dma_start3A_46 = tpu.memref_slice %arg10[%dma_start3A_35, %dma_start3A_45] : memref<2x4096xf32, #tpu.memory_space<vmem>> -> memref<1x4096xf32, #tpu.memory_space<vmem>>
      %dma_start3A_47 = tpu.memref_squeeze %dma_start3A_46 : memref<1x4096xf32, #tpu.memory_space<vmem>> -> memref<4096xf32, #tpu.memory_space<vmem>>
      tpu.enqueue_dma source(%dma_start3A_47 : memref<4096xf32, #tpu.memory_space<vmem>>) target(%dma_start3A_44 : memref<4096xf32, #tpu.memory_space<hbm>>) target_semaphore(%arg14 : memref<!tpu.dma_semaphore, #tpu.memory_space<semaphore_mem>>)
      %dma_wait3A_48 = arith.constant 0 : i32
      %dma_wait3A_49 = arith.constant 0 : i32
      %dma_wait3A_50 = tpu.memref_slice %arg10[%dma_wait3A_48, %dma_wait3A_49] : memref<2x4096xf32, #tpu.memory_space<vmem>> -> memref<1x4096xf32, #tpu.memory_space<vmem>>
      %dma_wait3A_51 = tpu.memref_squeeze %dma_wait3A_50 : memref<1x4096xf32, #tpu.memory_space<vmem>> -> memref<4096xf32, #tpu.memory_space<vmem>>
      %dma_wait3A_52 = arith.constant 0 : i32
      %dma_wait3A_53 = tpu.memref_slice %arg6[%add3A, %dma_wait3A_52] : memref<32x16384xf32, #tpu.memory_space<hbm>> -> memref<1x4096xf32, #tpu.memory_space<hbm>>
      %dma_wait3A_54 = tpu.memref_squeeze %dma_wait3A_53 : memref<1x4096xf32, #tpu.memory_space<hbm>> -> memref<4096xf32, #tpu.memory_space<hbm>>
      %dma_wait3A_55 = arith.constant 0 : i32
      %dma_wait3A_56 = tpu.memref_slice %arg6[%add3A, %dma_wait3A_55] : memref<32x16384xf32, #tpu.memory_space<hbm>> -> memref<1x4096xf32, #tpu.memory_space<hbm>>
      %dma_wait3A_57 = tpu.memref_squeeze %dma_wait3A_56 : memref<1x4096xf32, #tpu.memory_space<hbm>> -> memref<4096xf32, #tpu.memory_space<hbm>>
      %dma_wait3A_58 = arith.constant 0 : i32
      %dma_wait3A_59 = tpu.memref_slice %arg10[%dma_wait3A_48, %dma_wait3A_58] : memref<2x4096xf32, #tpu.memory_space<vmem>> -> memref<1x4096xf32, #tpu.memory_space<vmem>>
      %dma_wait3A_60 = tpu.memref_squeeze %dma_wait3A_59 : memref<1x4096xf32, #tpu.memory_space<vmem>> -> memref<4096xf32, #tpu.memory_space<vmem>>
      tpu.wait_dma2 semaphore(%arg13 : memref<!tpu.dma_semaphore, #tpu.memory_space<semaphore_mem>>) src(%dma_wait3A_60 : memref<4096xf32, #tpu.memory_space<vmem>>) dst(%dma_wait3A_57 : memref<4096xf32, #tpu.memory_space<hbm>>)
      %parallel_loop3A_61 = arith.constant 0 : i32
      %parallel_loop3A_62 = arith.constant 4096 : i32
      %parallel_loop3A_63 = arith.constant 16 : i32
      scf.for %parallel_loop3A_132 = %parallel_loop3A_61 to %parallel_loop3A_62 step %parallel_loop3A_63  : i32 {
        %parallel_loop3A_133 = arith.constant 8192 : i32
        %parallel_loop3A_134 = arith.addi %parallel_loop3A_133, %parallel_loop3A_132 : i32
        %parallel_loop3A_135 = arith.index_cast %parallel_loop3A_134 : i32 to index
        %parallel_loop3A_136 = tpu.vector_load %arg9[%parallel_loop3A_135] {strides = array<i32>} : memref<16384xi32, #tpu.memory_space<vmem>>, vector<16xi32>,
        %parallel_loop3A_137 = tpu.vector_load_idx %arg7[%parallel_loop3A_136] : memref<100001xf32, #tpu.memory_space<vmem>>[vector<16xi32>], vector<16xf32>,
        %parallel_loop3A_138 = arith.constant 0 : i32
        %parallel_loop3A_139 = arith.index_cast %parallel_loop3A_138 : i32 to index
        %parallel_loop3A_140 = arith.index_cast %parallel_loop3A_132 : i32 to index
        %parallel_loop3A_141 = tpu.vector_load %arg10[%parallel_loop3A_139, %parallel_loop3A_140] {strides = array<i32>} : memref<2x4096xf32, #tpu.memory_space<vmem>>, vector<16xf32>,
        tpu.vector_store %arg10[%parallel_loop3A_139, %parallel_loop3A_140], %parallel_loop3A_137 {strides = array<i32>} : memref<2x4096xf32, #tpu.memory_space<vmem>>, vector<16xf32>,
      } {sc.loop_unroll_factor = 16 : i64, sc.parallel_access}
      %dma_start3A_64 = arith.constant 0 : i32
      %dma_start3A_65 = arith.constant 0 : i32
      %dma_start3A_66 = tpu.memref_slice %arg10[%dma_start3A_64, %dma_start3A_65] : memref<2x4096xf32, #tpu.memory_space<vmem>> -> memref<1x4096xf32, #tpu.memory_space<vmem>>
      %dma_start3A_67 = tpu.memref_squeeze %dma_start3A_66 : memref<1x4096xf32, #tpu.memory_space<vmem>> -> memref<4096xf32, #tpu.memory_space<vmem>>
      %dma_start3A_68 = arith.constant 8192 : i32
      %dma_start3A_69 = tpu.memref_slice %arg6[%add3A, %dma_start3A_68] : memref<32x16384xf32, #tpu.memory_space<hbm>> -> memref<1x4096xf32, #tpu.memory_space<hbm>>
      %dma_start3A_70 = tpu.memref_squeeze %dma_start3A_69 : memref<1x4096xf32, #tpu.memory_space<hbm>> -> memref<4096xf32, #tpu.memory_space<hbm>>
      %dma_start3A_71 = arith.constant 8192 : i32
      %dma_start3A_72 = tpu.memref_slice %arg6[%add3A, %dma_start3A_71] : memref<32x16384xf32, #tpu.memory_space<hbm>> -> memref<1x4096xf32, #tpu.memory_space<hbm>>
      %dma_start3A_73 = tpu.memref_squeeze %dma_start3A_72 : memref<1x4096xf32, #tpu.memory_space<hbm>> -> memref<4096xf32, #tpu.memory_space<hbm>>
      %dma_start3A_74 = arith.constant 0 : i32
      %dma_start3A_75 = tpu.memref_slice %arg10[%dma_start3A_64, %dma_start3A_74] : memref<2x4096xf32, #tpu.memory_space<vmem>> -> memref<1x4096xf32, #tpu.memory_space<vmem>>
      %dma_start3A_76 = tpu.memref_squeeze %dma_start3A_75 : memref<1x4096xf32, #tpu.memory_space<vmem>> -> memref<4096xf32, #tpu.memory_space<vmem>>
      tpu.enqueue_dma source(%dma_start3A_76 : memref<4096xf32, #tpu.memory_space<vmem>>) target(%dma_start3A_73 : memref<4096xf32, #tpu.memory_space<hbm>>) target_semaphore(%arg13 : memref<!tpu.dma_semaphore, #tpu.memory_space<semaphore_mem>>)
      %dma_wait3A_77 = arith.constant 1 : i32
      %dma_wait3A_78 = arith.constant 0 : i32
      %dma_wait3A_79 = tpu.memref_slice %arg10[%dma_wait3A_77, %dma_wait3A_78] : memref<2x4096xf32, #tpu.memory_space<vmem>> -> memref<1x4096xf32, #tpu.memory_space<vmem>>
      %dma_wait3A_80 = tpu.memref_squeeze %dma_wait3A_79 : memref<1x4096xf32, #tpu.memory_space<vmem>> -> memref<4096xf32, #tpu.memory_space<vmem>>
      %dma_wait3A_81 = arith.constant 4096 : i32
      %dma_wait3A_82 = tpu.memref_slice %arg6[%add3A, %dma_wait3A_81] : memref<32x16384xf32, #tpu.memory_space<hbm>> -> memref<1x4096xf32, #tpu.memory_space<hbm>>
      %dma_wait3A_83 = tpu.memref_squeeze %dma_wait3A_82 : memref<1x4096xf32, #tpu.memory_space<hbm>> -> memref<4096xf32, #tpu.memory_space<hbm>>
      %dma_wait3A_84 = arith.constant 4096 : i32
      %dma_wait3A_85 = tpu.memref_slice %arg6[%add3A, %dma_wait3A_84] : memref<32x16384xf32, #tpu.memory_space<hbm>> -> memref<1x4096xf32, #tpu.memory_space<hbm>>
      %dma_wait3A_86 = tpu.memref_squeeze %dma_wait3A_85 : memref<1x4096xf32, #tpu.memory_space<hbm>> -> memref<4096xf32, #tpu.memory_space<hbm>>
      %dma_wait3A_87 = arith.constant 0 : i32
      %dma_wait3A_88 = tpu.memref_slice %arg10[%dma_wait3A_77, %dma_wait3A_87] : memref<2x4096xf32, #tpu.memory_space<vmem>> -> memref<1x4096xf32, #tpu.memory_space<vmem>>
      %dma_wait3A_89 = tpu.memref_squeeze %dma_wait3A_88 : memref<1x4096xf32, #tpu.memory_space<vmem>> -> memref<4096xf32, #tpu.memory_space<vmem>>
      tpu.wait_dma2 semaphore(%arg14 : memref<!tpu.dma_semaphore, #tpu.memory_space<semaphore_mem>>) src(%dma_wait3A_89 : memref<4096xf32, #tpu.memory_space<vmem>>) dst(%dma_wait3A_86 : memref<4096xf32, #tpu.memory_space<hbm>>)
      %parallel_loop3A_90 = arith.constant 0 : i32
      %parallel_loop3A_91 = arith.constant 4096 : i32
      %parallel_loop3A_92 = arith.constant 16 : i32
      scf.for %parallel_loop3A_132 = %parallel_loop3A_90 to %parallel_loop3A_91 step %parallel_loop3A_92  : i32 {
        %parallel_loop3A_133 = arith.constant 12288 : i32
        %parallel_loop3A_134 = arith.addi %parallel_loop3A_133, %parallel_loop3A_132 : i32
        %parallel_loop3A_135 = arith.index_cast %parallel_loop3A_134 : i32 to index
        %parallel_loop3A_136 = tpu.vector_load %arg9[%parallel_loop3A_135] {strides = array<i32>} : memref<16384xi32, #tpu.memory_space<vmem>>, vector<16xi32>,
        %parallel_loop3A_137 = tpu.vector_load_idx %arg7[%parallel_loop3A_136] : memref<100001xf32, #tpu.memory_space<vmem>>[vector<16xi32>], vector<16xf32>,
        %parallel_loop3A_138 = arith.constant 1 : i32
        %parallel_loop3A_139 = arith.index_cast %parallel_loop3A_138 : i32 to index
        %parallel_loop3A_140 = arith.index_cast %parallel_loop3A_132 : i32 to index
        %parallel_loop3A_141 = tpu.vector_load %arg10[%parallel_loop3A_139, %parallel_loop3A_140] {strides = array<i32>} : memref<2x4096xf32, #tpu.memory_space<vmem>>, vector<16xf32>,
        tpu.vector_store %arg10[%parallel_loop3A_139, %parallel_loop3A_140], %parallel_loop3A_137 {strides = array<i32>} : memref<2x4096xf32, #tpu.memory_space<vmem>>, vector<16xf32>,
      } {sc.loop_unroll_factor = 16 : i64, sc.parallel_access}
      %dma_start3A_93 = arith.constant 1 : i32
      %dma_start3A_94 = arith.constant 0 : i32
      %dma_start3A_95 = tpu.memref_slice %arg10[%dma_start3A_93, %dma_start3A_94] : memref<2x4096xf32, #tpu.memory_space<vmem>> -> memref<1x4096xf32, #tpu.memory_space<vmem>>
      %dma_start3A_96 = tpu.memref_squeeze %dma_start3A_95 : memref<1x4096xf32, #tpu.memory_space<vmem>> -> memref<4096xf32, #tpu.memory_space<vmem>>
      %dma_start3A_97 = arith.constant 12288 : i32
      %dma_start3A_98 = tpu.memref_slice %arg6[%add3A, %dma_start3A_97] : memref<32x16384xf32, #tpu.memory_space<hbm>> -> memref<1x4096xf32, #tpu.memory_space<hbm>>
      %dma_start3A_99 = tpu.memref_squeeze %dma_start3A_98 : memref<1x4096xf32, #tpu.memory_space<hbm>> -> memref<4096xf32, #tpu.memory_space<hbm>>
      %dma_start3A_100 = arith.constant 12288 : i32
      %dma_start3A_101 = tpu.memref_slice %arg6[%add3A, %dma_start3A_100] : memref<32x16384xf32, #tpu.memory_space<hbm>> -> memref<1x4096xf32, #tpu.memory_space<hbm>>
      %dma_start3A_102 = tpu.memref_squeeze %dma_start3A_101 : memref<1x4096xf32, #tpu.memory_space<hbm>> -> memref<4096xf32, #tpu.memory_space<hbm>>
      %dma_start3A_103 = arith.constant 0 : i32
      %dma_start3A_104 = tpu.memref_slice %arg10[%dma_start3A_93, %dma_start3A_103] : memref<2x4096xf32, #tpu.memory_space<vmem>> -> memref<1x4096xf32, #tpu.memory_space<vmem>>
      %dma_start3A_105 = tpu.memref_squeeze %dma_start3A_104 : memref<1x4096xf32, #tpu.memory_space<vmem>> -> memref<4096xf32, #tpu.memory_space<vmem>>
      tpu.enqueue_dma source(%dma_start3A_105 : memref<4096xf32, #tpu.memory_space<vmem>>) target(%dma_start3A_102 : memref<4096xf32, #tpu.memory_space<hbm>>) target_semaphore(%arg14 : memref<!tpu.dma_semaphore, #tpu.memory_space<semaphore_mem>>)
      %dma_wait3A_106 = arith.constant 0 : i32
      %dma_wait3A_107 = arith.constant 0 : i32
      %dma_wait3A_108 = tpu.memref_slice %arg10[%dma_wait3A_106, %dma_wait3A_107] : memref<2x4096xf32, #tpu.memory_space<vmem>> -> memref<1x4096xf32, #tpu.memory_space<vmem>>
      %dma_wait3A_109 = tpu.memref_squeeze %dma_wait3A_108 : memref<1x4096xf32, #tpu.memory_space<vmem>> -> memref<4096xf32, #tpu.memory_space<vmem>>
      %dma_wait3A_110 = arith.constant 8192 : i32
      %dma_wait3A_111 = tpu.memref_slice %arg6[%add3A, %dma_wait3A_110] : memref<32x16384xf32, #tpu.memory_space<hbm>> -> memref<1x4096xf32, #tpu.memory_space<hbm>>
      %dma_wait3A_112 = tpu.memref_squeeze %dma_wait3A_111 : memref<1x4096xf32, #tpu.memory_space<hbm>> -> memref<4096xf32, #tpu.memory_space<hbm>>
      %dma_wait3A_113 = arith.constant 8192 : i32
      %dma_wait3A_114 = tpu.memref_slice %arg6[%add3A, %dma_wait3A_113] : memref<32x16384xf32, #tpu.memory_space<hbm>> -> memref<1x4096xf32, #tpu.memory_space<hbm>>
      %dma_wait3A_115 = tpu.memref_squeeze %dma_wait3A_114 : memref<1x4096xf32, #tpu.memory_space<hbm>> -> memref<4096xf32, #tpu.memory_space<hbm>>
      %dma_wait3A_116 = arith.constant 0 : i32
      %dma_wait3A_117 = tpu.memref_slice %arg10[%dma_wait3A_106, %dma_wait3A_116] : memref<2x4096xf32, #tpu.memory_space<vmem>> -> memref<1x4096xf32, #tpu.memory_space<vmem>>
      %dma_wait3A_118 = tpu.memref_squeeze %dma_wait3A_117 : memref<1x4096xf32, #tpu.memory_space<vmem>> -> memref<4096xf32, #tpu.memory_space<vmem>>
      tpu.wait_dma2 semaphore(%arg13 : memref<!tpu.dma_semaphore, #tpu.memory_space<semaphore_mem>>) src(%dma_wait3A_118 : memref<4096xf32, #tpu.memory_space<vmem>>) dst(%dma_wait3A_115 : memref<4096xf32, #tpu.memory_space<hbm>>)
      %dma_wait3A_119 = arith.constant 1 : i32
      %dma_wait3A_120 = arith.constant 0 : i32
      %dma_wait3A_121 = tpu.memref_slice %arg10[%dma_wait3A_119, %dma_wait3A_120] : memref<2x4096xf32, #tpu.memory_space<vmem>> -> memref<1x4096xf32, #tpu.memory_space<vmem>>
      %dma_wait3A_122 = tpu.memref_squeeze %dma_wait3A_121 : memref<1x4096xf32, #tpu.memory_space<vmem>> -> memref<4096xf32, #tpu.memory_space<vmem>>
      %dma_wait3A_123 = arith.constant 12288 : i32
      %dma_wait3A_124 = tpu.memref_slice %arg6[%add3A, %dma_wait3A_123] : memref<32x16384xf32, #tpu.memory_space<hbm>> -> memref<1x4096xf32, #tpu.memory_space<hbm>>
      %dma_wait3A_125 = tpu.memref_squeeze %dma_wait3A_124 : memref<1x4096xf32, #tpu.memory_space<hbm>> -> memref<4096xf32, #tpu.memory_space<hbm>>
      %dma_wait3A_126 = arith.constant 12288 : i32
      %dma_wait3A_127 = tpu.memref_slice %arg6[%add3A, %dma_wait3A_126] : memref<32x16384xf32, #tpu.memory_space<hbm>> -> memref<1x4096xf32, #tpu.memory_space<hbm>>
      %dma_wait3A_128 = tpu.memref_squeeze %dma_wait3A_127 : memref<1x4096xf32, #tpu.memory_space<hbm>> -> memref<4096xf32, #tpu.memory_space<hbm>>
      %dma_wait3A_129 = arith.constant 0 : i32
      %dma_wait3A_130 = tpu.memref_slice %arg10[%dma_wait3A_119, %dma_wait3A_129] : memref<2x4096xf32, #tpu.memory_space<vmem>> -> memref<1x4096xf32, #tpu.memory_space<vmem>>
      %dma_wait3A_131 = tpu.memref_squeeze %dma_wait3A_130 : memref<1x4096xf32, #tpu.memory_space<vmem>> -> memref<4096xf32, #tpu.memory_space<vmem>>
      tpu.wait_dma2 semaphore(%arg14 : memref<!tpu.dma_semaphore, #tpu.memory_space<semaphore_mem>>) src(%dma_wait3A_131 : memref<4096xf32, #tpu.memory_space<vmem>>) dst(%dma_wait3A_128 : memref<4096xf32, #tpu.memory_space<hbm>>)
    } else {
    }
    %ge3A = arith.constant 16 : i32
    %ge3A_3 = arith.cmpi sge, %add3A, %ge3A : i32
    %convert_element_type3A_4 = arith.extui %ge3A_3 : i1 to i32
    %cond3A_5 = arith.constant 0 : i32
    %cond3A_6 = arith.cmpi ne, %convert_element_type3A_4, %cond3A_5 : i32
    scf.if %cond3A_6 {
      %sub3A = arith.constant 16 : i32
      %sub3A_7 = arith.subi %add3A, %sub3A : i32
      %dma_start3A = arith.constant 0 : i32
      %dma_start3A_8 = tpu.memref_slice %arg5[%sub3A_7, %dma_start3A] : memref<16x1001xf32, #tpu.memory_space<hbm>> -> memref<1x1001xf32, #tpu.memory_space<hbm>>
      %dma_start3A_9 = tpu.memref_squeeze %dma_start3A_8 : memref<1x1001xf32, #tpu.memory_space<hbm>> -> memref<1001xf32, #tpu.memory_space<hbm>>
      %dma_start3A_10 = arith.constant 0 : i32
      %dma_start3A_11 = tpu.memref_slice %arg5[%sub3A_7, %dma_start3A_10] : memref<16x1001xf32, #tpu.memory_space<hbm>> -> memref<1x1001xf32, #tpu.memory_space<hbm>>
      %dma_start3A_12 = tpu.memref_squeeze %dma_start3A_11 : memref<1x1001xf32, #tpu.memory_space<hbm>> -> memref<1001xf32, #tpu.memory_space<hbm>>
      tpu.enqueue_dma source(%dma_start3A_12 : memref<1001xf32, #tpu.memory_space<hbm>>) target(%arg8 : memref<1001xf32, #tpu.memory_space<vmem>>) target_semaphore(%arg11 : memref<!tpu.dma_semaphore, #tpu.memory_space<semaphore_mem>>)
      tpu.enqueue_dma source(%arg3 : memref<16384xi32, #tpu.memory_space<hbm>>) target(%arg9 : memref<16384xi32, #tpu.memory_space<vmem>>) target_semaphore(%arg12 : memref<!tpu.dma_semaphore, #tpu.memory_space<semaphore_mem>>)
      %dma_wait3A = arith.constant 0 : i32
      %dma_wait3A_13 = tpu.memref_slice %arg5[%sub3A_7, %dma_wait3A] : memref<16x1001xf32, #tpu.memory_space<hbm>> -> memref<1x1001xf32, #tpu.memory_space<hbm>>
      %dma_wait3A_14 = tpu.memref_squeeze %dma_wait3A_13 : memref<1x1001xf32, #tpu.memory_space<hbm>> -> memref<1001xf32, #tpu.memory_space<hbm>>
      %dma_wait3A_15 = arith.constant 0 : i32
      %dma_wait3A_16 = tpu.memref_slice %arg5[%sub3A_7, %dma_wait3A_15] : memref<16x1001xf32, #tpu.memory_space<hbm>> -> memref<1x1001xf32, #tpu.memory_space<hbm>>
      %dma_wait3A_17 = tpu.memref_squeeze %dma_wait3A_16 : memref<1x1001xf32, #tpu.memory_space<hbm>> -> memref<1001xf32, #tpu.memory_space<hbm>>
      tpu.wait_dma2 semaphore(%arg11 : memref<!tpu.dma_semaphore, #tpu.memory_space<semaphore_mem>>) src(%dma_wait3A_17 : memref<1001xf32, #tpu.memory_space<hbm>>) dst(%arg8 : memref<1001xf32, #tpu.memory_space<vmem>>)
      tpu.wait_dma2 semaphore(%arg12 : memref<!tpu.dma_semaphore, #tpu.memory_space<semaphore_mem>>) src(%arg3 : memref<16384xi32, #tpu.memory_space<hbm>>) dst(%arg9 : memref<16384xi32, #tpu.memory_space<vmem>>)
      %parallel_loop3A = arith.constant 0 : i32
      %parallel_loop3A_18 = arith.constant 4096 : i32
      %parallel_loop3A_19 = arith.constant 16 : i32
      scf.for %parallel_loop3A_133 = %parallel_loop3A to %parallel_loop3A_18 step %parallel_loop3A_19  : i32 {
        %parallel_loop3A_134 = arith.constant 0 : i32
        %parallel_loop3A_135 = arith.addi %parallel_loop3A_134, %parallel_loop3A_133 : i32
        %parallel_loop3A_136 = arith.index_cast %parallel_loop3A_135 : i32 to index
        %parallel_loop3A_137 = tpu.vector_load %arg9[%parallel_loop3A_136] {strides = array<i32>} : memref<16384xi32, #tpu.memory_space<vmem>>, vector<16xi32>,
        %parallel_loop3A_138 = tpu.vector_load_idx %arg8[%parallel_loop3A_137] : memref<1001xf32, #tpu.memory_space<vmem>>[vector<16xi32>], vector<16xf32>,
        %parallel_loop3A_139 = arith.constant 0 : i32
        %parallel_loop3A_140 = arith.index_cast %parallel_loop3A_139 : i32 to index
        %parallel_loop3A_141 = arith.index_cast %parallel_loop3A_133 : i32 to index
        %parallel_loop3A_142 = tpu.vector_load %arg10[%parallel_loop3A_140, %parallel_loop3A_141] {strides = array<i32>} : memref<2x4096xf32, #tpu.memory_space<vmem>>, vector<16xf32>,
        tpu.vector_store %arg10[%parallel_loop3A_140, %parallel_loop3A_141], %parallel_loop3A_138 {strides = array<i32>} : memref<2x4096xf32, #tpu.memory_space<vmem>>, vector<16xf32>,
      } {sc.loop_unroll_factor = 16 : i64, sc.parallel_access}
      %dma_start3A_20 = arith.constant 0 : i32
      %dma_start3A_21 = arith.constant 0 : i32
      %dma_start3A_22 = tpu.memref_slice %arg10[%dma_start3A_20, %dma_start3A_21] : memref<2x4096xf32, #tpu.memory_space<vmem>> -> memref<1x4096xf32, #tpu.memory_space<vmem>>
      %dma_start3A_23 = tpu.memref_squeeze %dma_start3A_22 : memref<1x4096xf32, #tpu.memory_space<vmem>> -> memref<4096xf32, #tpu.memory_space<vmem>>
      %dma_start3A_24 = arith.constant 0 : i32
      %dma_start3A_25 = tpu.memref_slice %arg6[%add3A, %dma_start3A_24] : memref<32x16384xf32, #tpu.memory_space<hbm>> -> memref<1x4096xf32, #tpu.memory_space<hbm>>
      %dma_start3A_26 = tpu.memref_squeeze %dma_start3A_25 : memref<1x4096xf32, #tpu.memory_space<hbm>> -> memref<4096xf32, #tpu.memory_space<hbm>>
      %dma_start3A_27 = arith.constant 0 : i32
      %dma_start3A_28 = tpu.memref_slice %arg6[%add3A, %dma_start3A_27] : memref<32x16384xf32, #tpu.memory_space<hbm>> -> memref<1x4096xf32, #tpu.memory_space<hbm>>
      %dma_start3A_29 = tpu.memref_squeeze %dma_start3A_28 : memref<1x4096xf32, #tpu.memory_space<hbm>> -> memref<4096xf32, #tpu.memory_space<hbm>>
      %dma_start3A_30 = arith.constant 0 : i32
      %dma_start3A_31 = tpu.memref_slice %arg10[%dma_start3A_20, %dma_start3A_30] : memref<2x4096xf32, #tpu.memory_space<vmem>> -> memref<1x4096xf32, #tpu.memory_space<vmem>>
      %dma_start3A_32 = tpu.memref_squeeze %dma_start3A_31 : memref<1x4096xf32, #tpu.memory_space<vmem>> -> memref<4096xf32, #tpu.memory_space<vmem>>
      tpu.enqueue_dma source(%dma_start3A_32 : memref<4096xf32, #tpu.memory_space<vmem>>) target(%dma_start3A_29 : memref<4096xf32, #tpu.memory_space<hbm>>) target_semaphore(%arg13 : memref<!tpu.dma_semaphore, #tpu.memory_space<semaphore_mem>>)
      %parallel_loop3A_33 = arith.constant 0 : i32
      %parallel_loop3A_34 = arith.constant 4096 : i32
      %parallel_loop3A_35 = arith.constant 16 : i32
      scf.for %parallel_loop3A_133 = %parallel_loop3A_33 to %parallel_loop3A_34 step %parallel_loop3A_35  : i32 {
        %parallel_loop3A_134 = arith.constant 4096 : i32
        %parallel_loop3A_135 = arith.addi %parallel_loop3A_134, %parallel_loop3A_133 : i32
        %parallel_loop3A_136 = arith.index_cast %parallel_loop3A_135 : i32 to index
        %parallel_loop3A_137 = tpu.vector_load %arg9[%parallel_loop3A_136] {strides = array<i32>} : memref<16384xi32, #tpu.memory_space<vmem>>, vector<16xi32>,
        %parallel_loop3A_138 = tpu.vector_load_idx %arg8[%parallel_loop3A_137] : memref<1001xf32, #tpu.memory_space<vmem>>[vector<16xi32>], vector<16xf32>,
        %parallel_loop3A_139 = arith.constant 1 : i32
        %parallel_loop3A_140 = arith.index_cast %parallel_loop3A_139 : i32 to index
        %parallel_loop3A_141 = arith.index_cast %parallel_loop3A_133 : i32 to index
        %parallel_loop3A_142 = tpu.vector_load %arg10[%parallel_loop3A_140, %parallel_loop3A_141] {strides = array<i32>} : memref<2x4096xf32, #tpu.memory_space<vmem>>, vector<16xf32>,
        tpu.vector_store %arg10[%parallel_loop3A_140, %parallel_loop3A_141], %parallel_loop3A_138 {strides = array<i32>} : memref<2x4096xf32, #tpu.memory_space<vmem>>, vector<16xf32>,
      } {sc.loop_unroll_factor = 16 : i64, sc.parallel_access}
      %dma_start3A_36 = arith.constant 1 : i32
      %dma_start3A_37 = arith.constant 0 : i32
      %dma_start3A_38 = tpu.memref_slice %arg10[%dma_start3A_36, %dma_start3A_37] : memref<2x4096xf32, #tpu.memory_space<vmem>> -> memref<1x4096xf32, #tpu.memory_space<vmem>>
      %dma_start3A_39 = tpu.memref_squeeze %dma_start3A_38 : memref<1x4096xf32, #tpu.memory_space<vmem>> -> memref<4096xf32, #tpu.memory_space<vmem>>
      %dma_start3A_40 = arith.constant 4096 : i32
      %dma_start3A_41 = tpu.memref_slice %arg6[%add3A, %dma_start3A_40] : memref<32x16384xf32, #tpu.memory_space<hbm>> -> memref<1x4096xf32, #tpu.memory_space<hbm>>
      %dma_start3A_42 = tpu.memref_squeeze %dma_start3A_41 : memref<1x4096xf32, #tpu.memory_space<hbm>> -> memref<4096xf32, #tpu.memory_space<hbm>>
      %dma_start3A_43 = arith.constant 4096 : i32
      %dma_start3A_44 = tpu.memref_slice %arg6[%add3A, %dma_start3A_43] : memref<32x16384xf32, #tpu.memory_space<hbm>> -> memref<1x4096xf32, #tpu.memory_space<hbm>>
      %dma_start3A_45 = tpu.memref_squeeze %dma_start3A_44 : memref<1x4096xf32, #tpu.memory_space<hbm>> -> memref<4096xf32, #tpu.memory_space<hbm>>
      %dma_start3A_46 = arith.constant 0 : i32
      %dma_start3A_47 = tpu.memref_slice %arg10[%dma_start3A_36, %dma_start3A_46] : memref<2x4096xf32, #tpu.memory_space<vmem>> -> memref<1x4096xf32, #tpu.memory_space<vmem>>
      %dma_start3A_48 = tpu.memref_squeeze %dma_start3A_47 : memref<1x4096xf32, #tpu.memory_space<vmem>> -> memref<4096xf32, #tpu.memory_space<vmem>>
      tpu.enqueue_dma source(%dma_start3A_48 : memref<4096xf32, #tpu.memory_space<vmem>>) target(%dma_start3A_45 : memref<4096xf32, #tpu.memory_space<hbm>>) target_semaphore(%arg14 : memref<!tpu.dma_semaphore, #tpu.memory_space<semaphore_mem>>)
      %dma_wait3A_49 = arith.constant 0 : i32
      %dma_wait3A_50 = arith.constant 0 : i32
      %dma_wait3A_51 = tpu.memref_slice %arg10[%dma_wait3A_49, %dma_wait3A_50] : memref<2x4096xf32, #tpu.memory_space<vmem>> -> memref<1x4096xf32, #tpu.memory_space<vmem>>
      %dma_wait3A_52 = tpu.memref_squeeze %dma_wait3A_51 : memref<1x4096xf32, #tpu.memory_space<vmem>> -> memref<4096xf32, #tpu.memory_space<vmem>>
      %dma_wait3A_53 = arith.constant 0 : i32
      %dma_wait3A_54 = tpu.memref_slice %arg6[%add3A, %dma_wait3A_53] : memref<32x16384xf32, #tpu.memory_space<hbm>> -> memref<1x4096xf32, #tpu.memory_space<hbm>>
      %dma_wait3A_55 = tpu.memref_squeeze %dma_wait3A_54 : memref<1x4096xf32, #tpu.memory_space<hbm>> -> memref<4096xf32, #tpu.memory_space<hbm>>
      %dma_wait3A_56 = arith.constant 0 : i32
      %dma_wait3A_57 = tpu.memref_slice %arg6[%add3A, %dma_wait3A_56] : memref<32x16384xf32, #tpu.memory_space<hbm>> -> memref<1x4096xf32, #tpu.memory_space<hbm>>
      %dma_wait3A_58 = tpu.memref_squeeze %dma_wait3A_57 : memref<1x4096xf32, #tpu.memory_space<hbm>> -> memref<4096xf32, #tpu.memory_space<hbm>>
      %dma_wait3A_59 = arith.constant 0 : i32
      %dma_wait3A_60 = tpu.memref_slice %arg10[%dma_wait3A_49, %dma_wait3A_59] : memref<2x4096xf32, #tpu.memory_space<vmem>> -> memref<1x4096xf32, #tpu.memory_space<vmem>>
      %dma_wait3A_61 = tpu.memref_squeeze %dma_wait3A_60 : memref<1x4096xf32, #tpu.memory_space<vmem>> -> memref<4096xf32, #tpu.memory_space<vmem>>
      tpu.wait_dma2 semaphore(%arg13 : memref<!tpu.dma_semaphore, #tpu.memory_space<semaphore_mem>>) src(%dma_wait3A_61 : memref<4096xf32, #tpu.memory_space<vmem>>) dst(%dma_wait3A_58 : memref<4096xf32, #tpu.memory_space<hbm>>)
      %parallel_loop3A_62 = arith.constant 0 : i32
      %parallel_loop3A_63 = arith.constant 4096 : i32
      %parallel_loop3A_64 = arith.constant 16 : i32
      scf.for %parallel_loop3A_133 = %parallel_loop3A_62 to %parallel_loop3A_63 step %parallel_loop3A_64  : i32 {
        %parallel_loop3A_134 = arith.constant 8192 : i32
        %parallel_loop3A_135 = arith.addi %parallel_loop3A_134, %parallel_loop3A_133 : i32
        %parallel_loop3A_136 = arith.index_cast %parallel_loop3A_135 : i32 to index
        %parallel_loop3A_137 = tpu.vector_load %arg9[%parallel_loop3A_136] {strides = array<i32>} : memref<16384xi32, #tpu.memory_space<vmem>>, vector<16xi32>,
        %parallel_loop3A_138 = tpu.vector_load_idx %arg8[%parallel_loop3A_137] : memref<1001xf32, #tpu.memory_space<vmem>>[vector<16xi32>], vector<16xf32>,
        %parallel_loop3A_139 = arith.constant 0 : i32
        %parallel_loop3A_140 = arith.index_cast %parallel_loop3A_139 : i32 to index
        %parallel_loop3A_141 = arith.index_cast %parallel_loop3A_133 : i32 to index
        %parallel_loop3A_142 = tpu.vector_load %arg10[%parallel_loop3A_140, %parallel_loop3A_141] {strides = array<i32>} : memref<2x4096xf32, #tpu.memory_space<vmem>>, vector<16xf32>,
        tpu.vector_store %arg10[%parallel_loop3A_140, %parallel_loop3A_141], %parallel_loop3A_138 {strides = array<i32>} : memref<2x4096xf32, #tpu.memory_space<vmem>>, vector<16xf32>,
      } {sc.loop_unroll_factor = 16 : i64, sc.parallel_access}
      %dma_start3A_65 = arith.constant 0 : i32
      %dma_start3A_66 = arith.constant 0 : i32
      %dma_start3A_67 = tpu.memref_slice %arg10[%dma_start3A_65, %dma_start3A_66] : memref<2x4096xf32, #tpu.memory_space<vmem>> -> memref<1x4096xf32, #tpu.memory_space<vmem>>
      %dma_start3A_68 = tpu.memref_squeeze %dma_start3A_67 : memref<1x4096xf32, #tpu.memory_space<vmem>> -> memref<4096xf32, #tpu.memory_space<vmem>>
      %dma_start3A_69 = arith.constant 8192 : i32
      %dma_start3A_70 = tpu.memref_slice %arg6[%add3A, %dma_start3A_69] : memref<32x16384xf32, #tpu.memory_space<hbm>> -> memref<1x4096xf32, #tpu.memory_space<hbm>>
      %dma_start3A_71 = tpu.memref_squeeze %dma_start3A_70 : memref<1x4096xf32, #tpu.memory_space<hbm>> -> memref<4096xf32, #tpu.memory_space<hbm>>
      %dma_start3A_72 = arith.constant 8192 : i32
      %dma_start3A_73 = tpu.memref_slice %arg6[%add3A, %dma_start3A_72] : memref<32x16384xf32, #tpu.memory_space<hbm>> -> memref<1x4096xf32, #tpu.memory_space<hbm>>
      %dma_start3A_74 = tpu.memref_squeeze %dma_start3A_73 : memref<1x4096xf32, #tpu.memory_space<hbm>> -> memref<4096xf32, #tpu.memory_space<hbm>>
      %dma_start3A_75 = arith.constant 0 : i32
      %dma_start3A_76 = tpu.memref_slice %arg10[%dma_start3A_65, %dma_start3A_75] : memref<2x4096xf32, #tpu.memory_space<vmem>> -> memref<1x4096xf32, #tpu.memory_space<vmem>>
      %dma_start3A_77 = tpu.memref_squeeze %dma_start3A_76 : memref<1x4096xf32, #tpu.memory_space<vmem>> -> memref<4096xf32, #tpu.memory_space<vmem>>
      tpu.enqueue_dma source(%dma_start3A_77 : memref<4096xf32, #tpu.memory_space<vmem>>) target(%dma_start3A_74 : memref<4096xf32, #tpu.memory_space<hbm>>) target_semaphore(%arg13 : memref<!tpu.dma_semaphore, #tpu.memory_space<semaphore_mem>>)
      %dma_wait3A_78 = arith.constant 1 : i32
      %dma_wait3A_79 = arith.constant 0 : i32
      %dma_wait3A_80 = tpu.memref_slice %arg10[%dma_wait3A_78, %dma_wait3A_79] : memref<2x4096xf32, #tpu.memory_space<vmem>> -> memref<1x4096xf32, #tpu.memory_space<vmem>>
      %dma_wait3A_81 = tpu.memref_squeeze %dma_wait3A_80 : memref<1x4096xf32, #tpu.memory_space<vmem>> -> memref<4096xf32, #tpu.memory_space<vmem>>
      %dma_wait3A_82 = arith.constant 4096 : i32
      %dma_wait3A_83 = tpu.memref_slice %arg6[%add3A, %dma_wait3A_82] : memref<32x16384xf32, #tpu.memory_space<hbm>> -> memref<1x4096xf32, #tpu.memory_space<hbm>>
      %dma_wait3A_84 = tpu.memref_squeeze %dma_wait3A_83 : memref<1x4096xf32, #tpu.memory_space<hbm>> -> memref<4096xf32, #tpu.memory_space<hbm>>
      %dma_wait3A_85 = arith.constant 4096 : i32
      %dma_wait3A_86 = tpu.memref_slice %arg6[%add3A, %dma_wait3A_85] : memref<32x16384xf32, #tpu.memory_space<hbm>> -> memref<1x4096xf32, #tpu.memory_space<hbm>>
      %dma_wait3A_87 = tpu.memref_squeeze %dma_wait3A_86 : memref<1x4096xf32, #tpu.memory_space<hbm>> -> memref<4096xf32, #tpu.memory_space<hbm>>
      %dma_wait3A_88 = arith.constant 0 : i32
      %dma_wait3A_89 = tpu.memref_slice %arg10[%dma_wait3A_78, %dma_wait3A_88] : memref<2x4096xf32, #tpu.memory_space<vmem>> -> memref<1x4096xf32, #tpu.memory_space<vmem>>
      %dma_wait3A_90 = tpu.memref_squeeze %dma_wait3A_89 : memref<1x4096xf32, #tpu.memory_space<vmem>> -> memref<4096xf32, #tpu.memory_space<vmem>>
      tpu.wait_dma2 semaphore(%arg14 : memref<!tpu.dma_semaphore, #tpu.memory_space<semaphore_mem>>) src(%dma_wait3A_90 : memref<4096xf32, #tpu.memory_space<vmem>>) dst(%dma_wait3A_87 : memref<4096xf32, #tpu.memory_space<hbm>>)
      %parallel_loop3A_91 = arith.constant 0 : i32
      %parallel_loop3A_92 = arith.constant 4096 : i32
      %parallel_loop3A_93 = arith.constant 16 : i32
      scf.for %parallel_loop3A_133 = %parallel_loop3A_91 to %parallel_loop3A_92 step %parallel_loop3A_93  : i32 {
        %parallel_loop3A_134 = arith.constant 12288 : i32
        %parallel_loop3A_135 = arith.addi %parallel_loop3A_134, %parallel_loop3A_133 : i32
        %parallel_loop3A_136 = arith.index_cast %parallel_loop3A_135 : i32 to index
        %parallel_loop3A_137 = tpu.vector_load %arg9[%parallel_loop3A_136] {strides = array<i32>} : memref<16384xi32, #tpu.memory_space<vmem>>, vector<16xi32>,
        %parallel_loop3A_138 = tpu.vector_load_idx %arg8[%parallel_loop3A_137] : memref<1001xf32, #tpu.memory_space<vmem>>[vector<16xi32>], vector<16xf32>,
        %parallel_loop3A_139 = arith.constant 1 : i32
        %parallel_loop3A_140 = arith.index_cast %parallel_loop3A_139 : i32 to index
        %parallel_loop3A_141 = arith.index_cast %parallel_loop3A_133 : i32 to index
        %parallel_loop3A_142 = tpu.vector_load %arg10[%parallel_loop3A_140, %parallel_loop3A_141] {strides = array<i32>} : memref<2x4096xf32, #tpu.memory_space<vmem>>, vector<16xf32>,
        tpu.vector_store %arg10[%parallel_loop3A_140, %parallel_loop3A_141], %parallel_loop3A_138 {strides = array<i32>} : memref<2x4096xf32, #tpu.memory_space<vmem>>, vector<16xf32>,
      } {sc.loop_unroll_factor = 16 : i64, sc.parallel_access}
      %dma_start3A_94 = arith.constant 1 : i32
      %dma_start3A_95 = arith.constant 0 : i32
      %dma_start3A_96 = tpu.memref_slice %arg10[%dma_start3A_94, %dma_start3A_95] : memref<2x4096xf32, #tpu.memory_space<vmem>> -> memref<1x4096xf32, #tpu.memory_space<vmem>>
      %dma_start3A_97 = tpu.memref_squeeze %dma_start3A_96 : memref<1x4096xf32, #tpu.memory_space<vmem>> -> memref<4096xf32, #tpu.memory_space<vmem>>
      %dma_start3A_98 = arith.constant 12288 : i32
      %dma_start3A_99 = tpu.memref_slice %arg6[%add3A, %dma_start3A_98] : memref<32x16384xf32, #tpu.memory_space<hbm>> -> memref<1x4096xf32, #tpu.memory_space<hbm>>
      %dma_start3A_100 = tpu.memref_squeeze %dma_start3A_99 : memref<1x4096xf32, #tpu.memory_space<hbm>> -> memref<4096xf32, #tpu.memory_space<hbm>>
      %dma_start3A_101 = arith.constant 12288 : i32
      %dma_start3A_102 = tpu.memref_slice %arg6[%add3A, %dma_start3A_101] : memref<32x16384xf32, #tpu.memory_space<hbm>> -> memref<1x4096xf32, #tpu.memory_space<hbm>>
      %dma_start3A_103 = tpu.memref_squeeze %dma_start3A_102 : memref<1x4096xf32, #tpu.memory_space<hbm>> -> memref<4096xf32, #tpu.memory_space<hbm>>
      %dma_start3A_104 = arith.constant 0 : i32
      %dma_start3A_105 = tpu.memref_slice %arg10[%dma_start3A_94, %dma_start3A_104] : memref<2x4096xf32, #tpu.memory_space<vmem>> -> memref<1x4096xf32, #tpu.memory_space<vmem>>
      %dma_start3A_106 = tpu.memref_squeeze %dma_start3A_105 : memref<1x4096xf32, #tpu.memory_space<vmem>> -> memref<4096xf32, #tpu.memory_space<vmem>>
      tpu.enqueue_dma source(%dma_start3A_106 : memref<4096xf32, #tpu.memory_space<vmem>>) target(%dma_start3A_103 : memref<4096xf32, #tpu.memory_space<hbm>>) target_semaphore(%arg14 : memref<!tpu.dma_semaphore, #tpu.memory_space<semaphore_mem>>)
      %dma_wait3A_107 = arith.constant 0 : i32
      %dma_wait3A_108 = arith.constant 0 : i32
      %dma_wait3A_109 = tpu.memref_slice %arg10[%dma_wait3A_107, %dma_wait3A_108] : memref<2x4096xf32, #tpu.memory_space<vmem>> -> memref<1x4096xf32, #tpu.memory_space<vmem>>
      %dma_wait3A_110 = tpu.memref_squeeze %dma_wait3A_109 : memref<1x4096xf32, #tpu.memory_space<vmem>> -> memref<4096xf32, #tpu.memory_space<vmem>>
      %dma_wait3A_111 = arith.constant 8192 : i32
      %dma_wait3A_112 = tpu.memref_slice %arg6[%add3A, %dma_wait3A_111] : memref<32x16384xf32, #tpu.memory_space<hbm>> -> memref<1x4096xf32, #tpu.memory_space<hbm>>
      %dma_wait3A_113 = tpu.memref_squeeze %dma_wait3A_112 : memref<1x4096xf32, #tpu.memory_space<hbm>> -> memref<4096xf32, #tpu.memory_space<hbm>>
      %dma_wait3A_114 = arith.constant 8192 : i32
      %dma_wait3A_115 = tpu.memref_slice %arg6[%add3A, %dma_wait3A_114] : memref<32x16384xf32, #tpu.memory_space<hbm>> -> memref<1x4096xf32, #tpu.memory_space<hbm>>
      %dma_wait3A_116 = tpu.memref_squeeze %dma_wait3A_115 : memref<1x4096xf32, #tpu.memory_space<hbm>> -> memref<4096xf32, #tpu.memory_space<hbm>>
      %dma_wait3A_117 = arith.constant 0 : i32
      %dma_wait3A_118 = tpu.memref_slice %arg10[%dma_wait3A_107, %dma_wait3A_117] : memref<2x4096xf32, #tpu.memory_space<vmem>> -> memref<1x4096xf32, #tpu.memory_space<vmem>>
      %dma_wait3A_119 = tpu.memref_squeeze %dma_wait3A_118 : memref<1x4096xf32, #tpu.memory_space<vmem>> -> memref<4096xf32, #tpu.memory_space<vmem>>
      tpu.wait_dma2 semaphore(%arg13 : memref<!tpu.dma_semaphore, #tpu.memory_space<semaphore_mem>>) src(%dma_wait3A_119 : memref<4096xf32, #tpu.memory_space<vmem>>) dst(%dma_wait3A_116 : memref<4096xf32, #tpu.memory_space<hbm>>)
      %dma_wait3A_120 = arith.constant 1 : i32
      %dma_wait3A_121 = arith.constant 0 : i32
      %dma_wait3A_122 = tpu.memref_slice %arg10[%dma_wait3A_120, %dma_wait3A_121] : memref<2x4096xf32, #tpu.memory_space<vmem>> -> memref<1x4096xf32, #tpu.memory_space<vmem>>
      %dma_wait3A_123 = tpu.memref_squeeze %dma_wait3A_122 : memref<1x4096xf32, #tpu.memory_space<vmem>> -> memref<4096xf32, #tpu.memory_space<vmem>>
      %dma_wait3A_124 = arith.constant 12288 : i32
      %dma_wait3A_125 = tpu.memref_slice %arg6[%add3A, %dma_wait3A_124] : memref<32x16384xf32, #tpu.memory_space<hbm>> -> memref<1x4096xf32, #tpu.memory_space<hbm>>
      %dma_wait3A_126 = tpu.memref_squeeze %dma_wait3A_125 : memref<1x4096xf32, #tpu.memory_space<hbm>> -> memref<4096xf32, #tpu.memory_space<hbm>>
      %dma_wait3A_127 = arith.constant 12288 : i32
      %dma_wait3A_128 = tpu.memref_slice %arg6[%add3A, %dma_wait3A_127] : memref<32x16384xf32, #tpu.memory_space<hbm>> -> memref<1x4096xf32, #tpu.memory_space<hbm>>
      %dma_wait3A_129 = tpu.memref_squeeze %dma_wait3A_128 : memref<1x4096xf32, #tpu.memory_space<hbm>> -> memref<4096xf32, #tpu.memory_space<hbm>>
      %dma_wait3A_130 = arith.constant 0 : i32
      %dma_wait3A_131 = tpu.memref_slice %arg10[%dma_wait3A_120, %dma_wait3A_130] : memref<2x4096xf32, #tpu.memory_space<vmem>> -> memref<1x4096xf32, #tpu.memory_space<vmem>>
      %dma_wait3A_132 = tpu.memref_squeeze %dma_wait3A_131 : memref<1x4096xf32, #tpu.memory_space<vmem>> -> memref<4096xf32, #tpu.memory_space<vmem>>
      tpu.wait_dma2 semaphore(%arg14 : memref<!tpu.dma_semaphore, #tpu.memory_space<semaphore_mem>>) src(%dma_wait3A_132 : memref<4096xf32, #tpu.memory_space<vmem>>) dst(%dma_wait3A_129 : memref<4096xf32, #tpu.memory_space<hbm>>)
    } else {
    }
    return
  }
}

</mosaic_0001>

<sc_bundles>
// kernel: kernel.3.cloned.1.call-start
scs
__scs_entry_jumppad:
0x0: {  	(pc) =	sbr.rel $0x88, $3  }
0x1: {  	(tag) =	ssettag $0x0;
	lr =	simm.s32 $0x1  }
0x2: {  	[smem:$0x3F9D] =	sst lr;
	_ =	strace $0xD0000000  }
0x3: {  	_ = 	snop  }
0x4: {  	_ = 	snop  }
0x5: {  	_ = 	snop  }
0x6: {  	_ = 	snop  }
0x7: {  	_ = 	snop  }
__scs_overlays_trampoline_lowered:
0x8: {  	[smem:$0x3FAC] =	sst s0  }
0x9: {  	[smem:$0x3FAD] =	sst s1  }
0xa: {  	[smem:$0x3FAE] =	sst s2  }
0xb: {  	[smem:$0x3FAF] =	sst s3  }
0xc: {  	[smem:$0x3FB0] =	sst s4  }
0xd: {  	[smem:$0x3FB1] =	sst s5  }
0xe: {  	[smem:$0x3FB2] =	sst s6  }
0xf: {  	[smem:$0x3FB3] =	sst s7  }
0x10: {  	[smem:$0x3FB4] =	sst s8  }
0x11: {  	[smem:$0x3FB5] =	sst s9;
	s0 =	simm.s32 @!p0 $0x0  }
0x12: {  	s1 =	sld [smem:$0x3F9B];
	s0 =	simm.s32 @p0 $0x1  }
0x13: {  	[smem:$0x3FB6] =	sst s0;
	s0 =	simm.s32 @!p1 $0x0  }
0x14: {  	s2 =	sld [smem:$0x3F9A];
	s0 =	simm.s32 @p1 $0x1  }
0x15: {  	[smem:$0x3FB7] =	sst s0;
	s0 =	simm.s32 @!p2 $0x0  }
0x16: {  	s3 =	sld [smem:$0x3FDB];
	s0 =	simm.s32 @p2 $0x1  }
0x17: {  	s4 =	simm.s32 $0x1BF5;
	[smem:$0x3FB9] =	sst s0  }
0x18: {  	s0 =	sld [smem:$0x3F9C];
	_ =	swait.ge [sflag:s4], $0x0  }
0x19: {  	s7 =	sld [smem:$0x3F9D]  }
0x1a: {  	s8 =	sadd.s32 $0xFFFFE003, lr  }
0x1b: {  	s9 =	sadd.s32 $0xFFFFFEF7, lr;
	s5 =	simm.s32 $0xFFFFFFFF;
	p2 =	slt.u32 s8, $0xFFFFF086  }
0x1c: {  	p1 =	slt.u32 s9, $0xF7A;
	s5 =	simm.s32 @!p2 $0x0  }
0x1d: {  	s5 =	simm.s32 @p1 $0x1;
	p0 =	seq.s32 s7, s2  }
0x1e: {  	s7 =	smul.u32 @!p0 $0xF7A, s2;
	p2 =	seq.s32 @!p0 s5, $0x0  }
0x1f: {  	s9 =	smul.u32 $0xF7A, s1;
	s8 =	simm.s32 @!p0 $0x1BF5;
	p2 =	por !p2, p0  }
0x20: {  	[sflag:s8] =	ssyncset.s32 @!p0 $0xFFFFF086;
	s6 =	sadd.s32 @!p0 s3, s7;
	s7 =	simm.s32 @!p0 $0x108  }
0x21: {  	s3 =	sadd.s32 s3, s9;
	s6 =	sadd.s32 @!p0 $0x88, s6;
	s7 =	simm.s32 @p2 $0x1082  }
0x22: {  	[simem:s7], [sflag:s8] =	dma.local @!p0 [hbm:s6], $0xF7A  }
0x23: {  	s9 =	sor.u32 $0xD0000000, s2;
	s6 =	simm.s32 $0x108;
	_ =	swait.ge @!p0 [sflag:s8], $0x0  }
0x24: {  	s3 =	sadd.s32 $0x88, s3;
	s6 =	simm.s32 @!p1 $0x1082;
	[sflag:s4] =	ssyncset.s32 $0xFFFFF086  }
0x25: {  	[simem:s6], [sflag:s4] =	dma.local [hbm:s3], $0xF7A  }
0x26: {  	[smem:$0x3F9D] =	sst s1;
	(tag) =	ssettag s2;
	_ =	strace s9  }
0x27: {  	s1 =	sld [smem:$0x3FAD]  }
0x28: {  	s2 =	sld [smem:$0x3FAE]  }
0x29: {  	s4 =	sld [smem:$0x3FB0]  }
0x2a: {  	p0 =	seq.s32 s5, $0x0;
	s5 =	sld [smem:$0x3FB1]  }
0x2b: {  	s6 =	sld [smem:$0x3FB2]  }
0x2c: {  	s7 =	sld [smem:$0x3FB3]  }
0x2d: {  	s3 =	simm.s32 $0x108;
	s8 =	sld [smem:$0x3FB4]  }
0x2e: {  	s3 =	simm.s32 @!p0 $0x1082;
	s9 =	sld [smem:$0x3FB5]  }
0x2f: {  	lr =	sadd.s32 s0, s3;
	s0 =	sld [smem:$0x3FAC]  }
0x30: {  	s3 =	sld [smem:$0x3FAF]  }
0x31: {  	[smem:$0x3FB8] =	sst s10  }
0x32: {  	s10 =	sld [smem:$0x3FB6];
	_ =	sdelay $0x3  }
0x33: {  	p0 =	seq.s32 s10, $0x1;
	s10 =	sld [smem:$0x3FB8];
	_ =	sdelay $0x3  }
0x34: {  	[smem:$0x3FB8] =	sst s10  }
0x35: {  	s10 =	sld [smem:$0x3FB7];
	_ =	sdelay $0x3  }
0x36: {  	p1 =	seq.s32 s10, $0x1;
	s10 =	sld [smem:$0x3FB8];
	_ =	sdelay $0x3  }
0x37: {  	[smem:$0x3FB8] =	sst s10  }
0x38: {  	s10 =	sld [smem:$0x3FB9]  }
0x39: {  	_ = 	snop;
	(pc) =	sbr.ind lr, $3  }
0x3a: {  	_ = 	snop  }
0x3b: {  	_ = 	snop  }
0x3c: {  	p2 =	seq.s32 s10, $0x1;
	s10 =	sld [smem:$0x3FB8]  }
0x3d: {  	_ =	shalt  }
0x3e: {  	_ =	shalt  }
0x3f: {  	_ =	shalt  }
0x40: {  	_ =	shalt  }
0x41: {  	_ =	shalt  }
0x42: {  	_ =	shalt  }
0x43: {  	_ =	shalt  }
0x44: {  	_ =	shalt  }
0x45: {  	_ =	shalt  }
0x46: {  	_ =	shalt  }
0x47: {  	_ =	shalt  }
0x48: {  	_ =	shalt  }
0x49: {  	_ =	shalt  }
0x4a: {  	_ =	shalt  }
0x4b: {  	_ =	shalt  }
0x4c: {  	_ =	shalt  }
0x4d: {  	_ =	shalt  }
0x4e: {  	_ =	shalt  }
0x4f: {  	_ =	shalt  }
0x50: {  	_ =	shalt  }
0x51: {  	_ =	shalt  }
0x52: {  	_ =	shalt  }
0x53: {  	_ =	shalt  }
0x54: {  	_ =	shalt  }
0x55: {  	_ =	shalt  }
0x56: {  	_ =	shalt  }
0x57: {  	_ =	shalt  }
0x58: {  	_ =	shalt  }
0x59: {  	_ =	shalt  }
0x5a: {  	_ =	shalt  }
0x5b: {  	_ =	shalt  }
0x5c: {  	_ =	shalt  }
0x5d: {  	_ =	shalt  }
0x5e: {  	_ =	shalt  }
0x5f: {  	_ =	shalt  }
0x60: {  	_ =	shalt  }
0x61: {  	_ =	shalt  }
0x62: {  	_ =	shalt  }
0x63: {  	_ =	shalt  }
0x64: {  	_ =	shalt  }
0x65: {  	_ =	shalt  }
0x66: {  	_ =	shalt  }
0x67: {  	_ =	shalt  }
0x68: {  	_ =	shalt  }
0x69: {  	_ =	shalt  }
0x6a: {  	_ =	shalt  }
0x6b: {  	_ =	shalt  }
0x6c: {  	_ =	shalt  }
0x6d: {  	_ =	shalt  }
0x6e: {  	_ =	shalt  }
0x6f: {  	_ =	shalt  }
0x70: {  	_ =	shalt  }
0x71: {  	_ =	shalt  }
0x72: {  	_ =	shalt  }
0x73: {  	_ =	shalt  }
0x74: {  	_ =	shalt  }
0x75: {  	_ =	shalt  }
0x76: {  	_ =	shalt  }
0x77: {  	_ =	shalt  }
0x78: {  	_ =	shalt  }
0x79: {  	_ =	shalt  }
0x7a: {  	_ =	shalt  }
0x7b: {  	_ =	shalt  }
0x7c: {  	_ =	shalt  }
0x7d: {  	_ =	shalt  }
0x7e: {  	_ =	shalt  }
0x7f: {  	_ =	shalt  }
0x80: {  	_ =	shalt  }
0x81: {  	_ =	shalt  }
0x82: {  	_ =	shalt  }
0x83: {  	_ =	shalt  }
0x84: {  	_ =	shalt  }
0x85: {  	_ =	shalt  }
0x86: {  	_ =	shalt  }
0x87: {  	_ =	shalt  }
.Lfunc_end0:
.L_simem_size_0:
called_computation_lowered:
.L_overlay_start_0:
0x88: {  	s2 =	sld [smem:$0x3FD9]  }
0x89: {  	s3 =	sld [smem:$0x3FFE];
	_ =	sdelay $0x1  }
0x8a: {  	s1 =	srdreg.scid  }
0x8b: {  	s0 =	sand.u32 $0x1, s1  }
0x8c: {  	s18 =	sshll.u32 s0, $0xA;
	s2 =	sadd.s32 s3, s2  }
0x8d: {  	s2 =	sadd.s32 s2, s18  }
0x8e: {  	[smem:$0x3FC4] =	sst s2  }
0x8f: {  	_ = 	snop  }
0x90: {  	s2 =	sld [smem:$0x3FC9]  }
0x91: {  	s19 =	sld [smem:$0x3FC8]  }
0x92: {  	s4 =	sld [smem:$0x3FC7]  }
0x93: {  	s5 =	sld [smem:$0x3FC6]  }
0x94: {  	s6 =	sld [smem:$0x3FD0];
	(tm) =	ssettm $0x1  }
0x95: {  	s7 =	sld [smem:$0x3FFB];
	_ =	sdelay $0x3  }
0x96: {  	_ =	strace s7  }
0x97: {  	s7 =	sld [smem:$0x3FFC];
	_ =	sdelay $0x3  }
0x98: {  	_ =	strace s7  }
0x99: {  	s7 =	sld [smem:$0x3FFD];
	_ =	sdelay $0x3  }
0x9a: {  	_ =	strace s7  }
0x9b: {  	_ =	strace $0x8FFFFFFF  }
0x9c: {  	s20 =	sld [smem:$0x3FDB];
	_ =	sdelay $0x1  }
0x9d: {  	s8 =	simm.s32 $_scs_section_size  }
0x9e: {  	s9 =	simm.s32 $_size__tile_overlayer_lowered;
	s10 =	simm.s32 $_tile_overlayer_lowered  }
0x9f: {  	s23 =	simm.s32 $0x1BFF;
	s22 =	sshll.u32 s10, $0x1;
	s7 =	sadd.s32 s8, s20  }
0xa0: {  	s11 =	simm.s32 $0x0;
	s21 =	sshll.u32 s9, $0x1;
	s9 =	sadd.s32 s22, s7  }
0xa1: {  	[timem:s11], [sflag:s23] =	dma.local [hbm:s9], s21  }
0xa2: {  	_ =	swait.ge [sflag:s23], s21  }
0xa3: {  	s8 =	ssub.s32 $0x0, s21;
	[sflag:s23] =	ssyncset.done $0x0  }
0xa4: {  	[sflag:s23] =	ssyncadd.s32 s8;
	_ =	sdelay $0x1  }
0xa5: {  	s24 =	simm.s32 $0x1B8B  }
0xa6: {  	_ =	swait.ge [sflag:s24], $0x1  }
0xa7: {  	[sflag:s24] =	ssyncset.done $0x0  }
0xa8: {  	s25 =	simm.s32 $0x1B8E;
	[sflag:s24] =	ssyncadd.s32 $0xFFFFFFFF  }
0xa9: {  	s26 =	simm.s32 $execute0_lowered;
	[smem:$0x3FD2] =	sst s25  }
0xaa: {  	s8 =	sshll.u32 s26, $0x1;
	_ =	strace $0x80000046;
	[dreg:$0x1] =	wrdreg $0xFFFFFFFF  }
0xab: {  	s28 =	simm.s32 $_size_execute0_lowered;
	s7 =	sadd.s32 s7, s8;
	[dreg:$0x0] =	wrdreg $0x0  }
0xac: {  	s8 =	sshll.u32 s28, $0x1;
	[dreg:$0x2] =	wrdreg s7  }
0xad: {  	[dreg:$0x3] =	wrdreg s8  }
0xae: {  	[dreg:$0x4] =	wrdreg $0xC0  }
0xaf: {  	_ =	task [dreg:s11], $0x5FFFF  }
0xb0: {  	[dreg:$0x1] =	wrdreg $0xFFFFFFFF  }
0xb1: {  	[dreg:$0x0] =	wrdreg $0x60  }
0xb2: {  	[dreg:$0x2] =	wrdreg s2  }
0xb3: {  	[dreg:$0x3] =	wrdreg s19  }
0xb4: {  	[dreg:$0x4] =	wrdreg s4  }
0xb5: {  	[dreg:$0x5] =	wrdreg s5  }
0xb6: {  	[dreg:$0x6] =	wrdreg s6  }
0xb7: {  	[dreg:$0x7] =	wrdreg $0x9  }
0xb8: {  	_ =	task.clear_ibuf [dreg:s11], $0x8FFFF;
	_ =	strace $0x90000046  }
0xb9: {  	s29 =	simm.s32 $0x9;
	_ =	strace $0x80000048  }
0xba: {  	_ =	swait.ge [sflag:s29], $0x1  }
0xbb: {  	[sflag:s29] =	ssyncadd.s32 $0xFFFFFFFF  }
0xbc: {  	_ =	strace $0x90000048  }
0xbd: {  	_ =	sfence  }
0xbe: {  	s30 =	sld [smem:$0x0];
	_ =	sdelay $0x2  }
0xbf: {  	s31 =	sshll.u32 s1, $0xD;
	s1 =	sshrl.u32 s1, $0x2  }
0xc0: {  	s3 =	sand.u32 $0x4000, s31;
	s1 =	sadd.s32 s1, s30  }
0xc1: {  	s0 =	sor.u32 s3, s0;
	s1 =	sshll.u32 s1, $0x11  }
0xc2: {  	s0 =	sor.u32 s1, s0  }
0xc3: {  	s0 =	sadd.s32 $0x8F2B, s0  }
0xc4: {  	[sflag:s0] =	ssyncadd.remote.s32 $0x1  }
0xc5: {  	_ =	sfence.sel $0xFFFF  }
0xc6: {  	[dreg:$0x0] =	wrdreg $0xFFFFFFFF;
	(pc) =	sbr.abs _section_cstart, $3  }
0xc7: {  	[dreg:$0x1] =	wrdreg $0xFFFFFFFF  }
0xc8: {  	_ =	task.clear_ibuf [dreg:s11], $0x2FFFF;
	_ =	strace $0x9FFFFFFF  }
0xc9: {  	(tm) =	ssettm $0x7FFFFFFF  }
tec
execute0_lowered:
.L_overlay_start_1:
0x0: {  	(tag) =	ssettag $0x1  }
0x1: {  	s1 =	rddreg [dreg:$0x0]  }
0x2: {  	s2 =	rddreg [dreg:$0x1]  }
0x3: {  	s10 =	rddreg [dreg:$0x2]  }
0x4: {  	s5 =	rddreg [dreg:$0x3]  }
0x5: {  	s11 =	rddreg [dreg:$0x4]  }
0x6: {  	s0 =	rddreg [dreg:$0x5]  }
0x7: {  	s6 =	srdreg.scid;
	s3 =	stileid.u32;
	s4 =	simm.s32 $0x0  }
0x8: {  	s19 =	simm.s32 $0x1;
	s20 =	simm.s32 $0x2;
	s21 =	simm.s32 $0x3  }
0x9: {  	s22 =	simm.s32 $0x4;
	s23 =	simm.s32 $0x18700;
	s24 =	simm.s32 $0x0  }
0xa: {  	s6 =	sand.u32 $0x1, s6;
	s7 =	sshll.u32 s3, $0x8;
	s8 =	sshll.u32 s3, $0xB  }
0xb: {  	[smem:$0x7FF] =	sst s4;
	s12 =	sshll.u32 s3, $0xF;
	s30 =	sshrl.u32 s3, $0x2  }
0xc: {  	s14 =	sadd.s32 $0x1000, s11;
	s17 =	sadd.s32 $0x2000, s11;
	s18 =	sadd.s32 $0x3000, s11  }
0xd: {  	p0 =	sgt.u32 s3, $0x7;
	s9 =	sshll.u32 s6, $0x7;
	s7 =	sand.u32 $0x300, s7  }
0xe: {  	s8 =	sand.u32 $0x6000, s8;
	_ =	strace $0x80000047;
	s6 =	ssub.s32 $0x2, s6  }
0xf: {  	s28 =	sand.u32 $0x60000, s12;
	s16 =	smul.u32 $0xC3800, s30;
	s9 =	sor.u32 s9, s7  }
0x10: {  	s12 =	sshll.u32 s30, $0x11;
	s25 =	sshrl.u32 s6, $0x1;
	s7 =	sor.u32 s9, s8  }
0x11: {  	s15 =	ssub.s32 s6, s25;
	s29 =	sor.u32 s28, s9;
	s16 =	sor.u32 s16, s9  }
0x12: {  	s12 =	sor.u32 s12, s9;
	s7 =	sadd.s32 $0xFFFFC000, s7;
	s13 =	sshrl.u32 s29, $0x3  }
0x13: {  	s16 =	sshrl.u32 s16, $0x3;
	s31 =	sshrl.u32 s12, $0x3;
	s15 =	smax.u32 s15, $0x1  }
.Ltmp0:
0x14: {  	s26 =	sshrl.u32 s7, $0x3;
	s6 =	sadd.s32 s11, s13;
	(pc) =	sbr.rel .LBB2_1-.Ltmp0, $4  }
0x15: {  	s7 =	sadd.s32 s13, s14;
	s8 =	sadd.s32 s13, s17;
	s9 =	sadd.s32 s13, s18  }
0x16: {  	s10 =	sadd.s32 s10, s16;
	s11 =	sadd.s32 s11, s31;
	s12 =	sadd.s32 s31, s14  }
0x17: {  	s13 =	sadd.s32 s31, s17;
	s14 =	sadd.s32 s31, s18;
	s16 =	simm.s32 $0x80  }
0x18: {  	s17 =	simm.s32 $0x400;
	s18 =	simm.s32 $0x18B00;
	s5 =	sadd.s32 s5, s26  }
.LBB2_35:
0x19: {  	[hbm4b:s29+s4] =	stream.linear.scatter [tilespmem:s26], [sflag:$0x4], $0x80, $0x38;
	[tilespmem:$0x1EB00] =	vst v63  }
.LBB2_36:
0x1a: {  	s24 =	sadd.s32 $0x1, s24  }
0x1b: {  	_ =	swait.ge [sflag:s21], $0x1000;
	p1 =	sne.s32 s24, s15  }
.Ltmp1:
0x1c: {  	[sflag:s21] =	ssyncset.done $0x0;
	(pc) =	sbr.rel @!p1 .LBB2_37-.Ltmp1, $4  }
0x1d: {  	[sflag:s21] =	ssyncadd.s32 $0xFFFFF000  }
0x1e: {  	_ =	swait.ge [sflag:s22], $0x1000  }
0x1f: {  	[sflag:s22] =	ssyncset.done $0x0  }
0x20: {  	[sflag:s22] =	ssyncadd.s32 $0xFFFFF000  }
.LBB2_1:
.Ltmp2:
0x21: {  	(pc) =	sbr.rel @p0 .LBB2_19-.Ltmp2, $1  }
0x22: {  	_ =	sdelay $0x3  }
0x23: {  	[tilespmem:s4], [sflag:$0x1] =	stream.strided.gather [hbm4b:s10+s16], $0x18700, s17, s16, $0x38;
	[tilespmem:$0x1EB00] =	vst v63  }
0x24: {  	_ = 	snop  }
0x25: {  	[tilespmem:s18], [sflag:$0x2] =	stream.linear.gather [hbm4b:s1+s4], $0x4000, $0x38;
	[tilespmem:$0x1EB00] =	vst v63  }
0x26: {  	_ =	swait.ge [sflag:s19], $0x18700  }
0x27: {  	[sflag:s19] =	ssyncset.done $0x0  }
0x28: {  	[sflag:s19] =	ssyncadd.s32 $0xFFFE7900  }
0x29: {  	_ =	swait.ge [sflag:s20], $0x4000  }
0x2a: {  	[sflag:s20] =	ssyncset.done $0x0  }
0x2b: {  	s25 =	simm.s32 $0x18B80;
	[sflag:s20] =	ssyncadd.s32 $0xFFFFC000  }
0x2c: {  	v0 =	vld [tilespmem:s25+$0x70]  }
0x2d: {  	v1 =	vld [tilespmem:s25+$0xFFFFFF90]  }
0x2e: {  	v2 =	vld [tilespmem:s25+$0xFFFFFFA0]  }
0x2f: {  	v3 =	vld [tilespmem:s25+$0xFFFFFFB0]  }
0x30: {  	v4 =	vld [tilespmem:s25+$0xFFFFFFC0]  }
0x31: {  	v5 =	vld [tilespmem:s25+$0xFFFFFFD0]  }
0x32: {  	v6 =	vld [tilespmem:s25+$0xFFFFFFE0]  }
0x33: {  	v7 =	vld [tilespmem:s25+$0xFFFFFFF0]  }
0x34: {  	v8 =	vld [tilespmem:s25+$0x0]  }
0x35: {  	v9 =	vld [tilespmem:s25+$0x10]  }
0x36: {  	v10 =	vld [tilespmem:s25+$0x20]  }
0x37: {  	v11 =	vld [tilespmem:s25+$0x30]  }
0x38: {  	v12 =	vld [tilespmem:s25+$0x40]  }
0x39: {  	v13 =	vld [tilespmem:s25+$0x50]  }
0x3a: {  	v14 =	vld [tilespmem:s25+$0x60]  }
0x3b: {  	v15 =	vld [tilespmem:s25+$0xFFFFFF80]  }
0x3c: {  	v0 =	vld.idx.msk [tilespmem:v0+s4+$0x0], $0xffff  }
0x3d: {  	v1 =	vld.idx.msk [tilespmem:v1+s4+$0x0], $0xffff  }
0x3e: {  	v2 =	vld.idx.msk [tilespmem:v2+s4+$0x0], $0xffff  }
0x3f: {  	v3 =	vld.idx.msk [tilespmem:v3+s4+$0x0], $0xffff  }
0x40: {  	v4 =	vld.idx.msk [tilespmem:v4+s4+$0x0], $0xffff  }
0x41: {  	s25 =	simm.s32 $0x1CC00;
	v5 =	vld.idx.msk [tilespmem:v5+s4+$0x0], $0xffff  }
0x42: {  	v6 =	vld.idx.msk [tilespmem:v6+s4+$0x0], $0xffff;
	[tilespmem:s25+$0x70] =	vst v0  }
0x43: {  	v7 =	vld.idx.msk [tilespmem:v7+s4+$0x0], $0xffff;
	[tilespmem:s25+$0xFFFFFF10] =	vst v1  }
0x44: {  	v15 =	vld.idx.msk [tilespmem:v15+s4+$0x0], $0xffff;
	[tilespmem:s25+$0xFFFFFF20] =	vst v2  }
0x45: {  	v8 =	vld.idx.msk [tilespmem:v8+s4+$0x0], $0xffff;
	[tilespmem:s25+$0xFFFFFF30] =	vst v3  }
0x46: {  	[tilespmem:s25+$0xFFFFFF40] =	vst v4;
	v0 =	vld.idx.msk [tilespmem:v9+s4+$0x0], $0xffff  }
0x47: {  	[tilespmem:s25+$0xFFFFFF50] =	vst v5;
	v1 =	vld.idx.msk [tilespmem:v10+s4+$0x0], $0xffff  }
0x48: {  	[tilespmem:s25+$0xFFFFFF60] =	vst v6;
	v2 =	vld.idx.msk [tilespmem:v11+s4+$0x0], $0xffff  }
0x49: {  	[tilespmem:s25+$0xFFFFFF70] =	vst v7;
	v3 =	vld.idx.msk [tilespmem:v12+s4+$0x0], $0xffff  }
0x4a: {  	[tilespmem:s25+$0xFFFFFF00] =	vst v15;
	v4 =	vld.idx.msk [tilespmem:v13+s4+$0x0], $0xffff  }
0x4b: {  	s26 =	simm.s32 $0x0;
	s28 =	simm.s32 $0x18C80;
	[tilespmem:s25+$0x0] =	vst v8;
	v5 =	vld.idx.msk [tilespmem:v14+s4+$0x0], $0xffff  }
.LBB2_3:
0x4c: {  	v6 =	vld [tilespmem:s28+$0x70];
	s26 =	sadd.s32 $0x100, s26;
	[tilespmem:s25+$0x10] =	vst v0  }
0x4d: {  	v0 =	vld [tilespmem:s28+$0xFFFFFF90];
	p1 =	slt.u32 s26, $0xF00;
	[tilespmem:s25+$0x20] =	vst v1  }
0x4e: {  	v1 =	vld [tilespmem:s28+$0xFFFFFFA0];
	[tilespmem:s25+$0x30] =	vst v2  }
0x4f: {  	v2 =	vld [tilespmem:s28+$0xFFFFFFB0];
	[tilespmem:s25+$0x40] =	vst v3  }
0x50: {  	v3 =	vld [tilespmem:s28+$0xFFFFFFC0];
	[tilespmem:s25+$0x50] =	vst v4  }
0x51: {  	v4 =	vld [tilespmem:s28+$0xFFFFFFD0];
	[tilespmem:s25+$0x60] =	vst v5  }
0x52: {  	v5 =	vld [tilespmem:s28+$0xFFFFFFE0]  }
0x53: {  	v7 =	vld [tilespmem:s28+$0xFFFFFFF0]  }
0x54: {  	v6 =	vld.idx.msk [tilespmem:v6+s4+$0x0], $0xffff  }
0x55: {  	v8 =	vld [tilespmem:s28+$0x0]  }
0x56: {  	v9 =	vld [tilespmem:s28+$0x10]  }
0x57: {  	v10 =	vld [tilespmem:s28+$0x20]  }
0x58: {  	v11 =	vld [tilespmem:s28+$0x30]  }
0x59: {  	s25 =	sadd.s32 $0x200, s25;
	v12 =	vld [tilespmem:s28+$0x40]  }
0x5a: {  	v13 =	vld [tilespmem:s28+$0x50];
	[tilespmem:s25+$0x70] =	vst v6  }
0x5b: {  	v6 =	vld [tilespmem:s28+$0x60]  }
0x5c: {  	v14 =	vld [tilespmem:s28+$0xFFFFFF80]  }
0x5d: {  	v0 =	vld.idx.msk [tilespmem:v0+s4+$0x0], $0xffff  }
0x5e: {  	v1 =	vld.idx.msk [tilespmem:v1+s4+$0x0], $0xffff  }
0x5f: {  	v2 =	vld.idx.msk [tilespmem:v2+s4+$0x0], $0xffff  }
0x60: {  	v3 =	vld.idx.msk [tilespmem:v3+s4+$0x0], $0xffff  }
0x61: {  	v4 =	vld.idx.msk [tilespmem:v4+s4+$0x0], $0xffff  }
0x62: {  	v5 =	vld.idx.msk [tilespmem:v5+s4+$0x0], $0xffff  }
0x63: {  	[tilespmem:s25+$0xFFFFFF10] =	vst v0;
	v7 =	vld.idx.msk [tilespmem:v7+s4+$0x0], $0xffff  }
0x64: {  	v14 =	vld.idx.msk [tilespmem:v14+s4+$0x0], $0xffff;
	[tilespmem:s25+$0xFFFFFF20] =	vst v1  }
0x65: {  	[tilespmem:s25+$0xFFFFFF30] =	vst v2;
	v8 =	vld.idx.msk [tilespmem:v8+s4+$0x0], $0xffff  }
0x66: {  	[tilespmem:s25+$0xFFFFFF40] =	vst v3;
	v0 =	vld.idx.msk [tilespmem:v9+s4+$0x0], $0xffff  }
.Ltmp3:
0x67: {  	[tilespmem:s25+$0xFFFFFF50] =	vst v4;
	v1 =	vld.idx.msk [tilespmem:v10+s4+$0x0], $0xffff;
	(pc) =	sbr.rel @p1 .LBB2_3-.Ltmp3, $4  }
0x68: {  	[tilespmem:s25+$0xFFFFFF60] =	vst v5;
	v2 =	vld.idx.msk [tilespmem:v11+s4+$0x0], $0xffff  }
0x69: {  	[tilespmem:s25+$0xFFFFFF70] =	vst v7;
	v3 =	vld.idx.msk [tilespmem:v12+s4+$0x0], $0xffff  }
0x6a: {  	[tilespmem:s25+$0xFFFFFF00] =	vst v14;
	v4 =	vld.idx.msk [tilespmem:v13+s4+$0x0], $0xffff  }
0x6b: {  	s28 =	sadd.s32 $0x100, s28;
	[tilespmem:s25+$0x0] =	vst v8;
	v5 =	vld.idx.msk [tilespmem:v6+s4+$0x0], $0xffff  }
0x6c: {  	[tilespmem:s25+$0x10] =	vst v0  }
0x6d: {  	[tilespmem:s25+$0x20] =	vst v1  }
0x6e: {  	[tilespmem:s25+$0x30] =	vst v2  }
0x6f: {  	[tilespmem:s25+$0x40] =	vst v3  }
0x70: {  	[tilespmem:s25+$0x50] =	vst v4  }
0x71: {  	s26 =	simm.s32 $0x1CB00;
	[tilespmem:s25+$0x60] =	vst v5;
	s25 =	simm.s32 $0x0  }
.LBB2_5:
0x72: {  	p1 =	sne.s32 s25, $0xF80  }
.Ltmp4:
0x73: {  	_ = 	snop;
	(pc) =	sbr.rel @p1 .LBB2_5-.Ltmp4, $4  }
0x74: {  	_ = 	snop  }
0x75: {  	s28 =	sadd.s32 s25, s11  }
0x76: {  	[hbm4b:s28+s4] =	stream.linear.scatter [tilespmem:s26], [sflag:$0x3], $0x80, $0x38;
	[tilespmem:$0x1EB00] =	vst v63  }
0x77: {  	s25 =	sadd.s32 $0x80, s25;
	s26 =	sadd.s32 $0x100, s26  }
0x78: {  	s25 =	simm.s32 $0x19BF0  }
0x79: {  	v0 =	vld [tilespmem:s25+$0x0]  }
0x7a: {  	v1 =	vld [tilespmem:s25+$0xFFFFFF20]  }
0x7b: {  	v2 =	vld [tilespmem:s25+$0xFFFFFF30]  }
0x7c: {  	v3 =	vld [tilespmem:s25+$0xFFFFFF40]  }
0x7d: {  	v4 =	vld [tilespmem:s25+$0xFFFFFF50]  }
0x7e: {  	v5 =	vld [tilespmem:s25+$0xFFFFFF60]  }
0x7f: {  	v6 =	vld [tilespmem:s25+$0xFFFFFF70]  }
0x80: {  	v7 =	vld [tilespmem:s25+$0xFFFFFF80]  }
0x81: {  	v8 =	vld [tilespmem:s25+$0xFFFFFF90]  }
0x82: {  	v9 =	vld [tilespmem:s25+$0xFFFFFFA0]  }
0x83: {  	v10 =	vld [tilespmem:s25+$0xFFFFFFB0]  }
0x84: {  	v11 =	vld [tilespmem:s25+$0xFFFFFFC0]  }
0x85: {  	v12 =	vld [tilespmem:s25+$0xFFFFFFD0]  }
0x86: {  	v13 =	vld [tilespmem:s25+$0xFFFFFFE0]  }
0x87: {  	v14 =	vld [tilespmem:s25+$0xFFFFFFF0]  }
0x88: {  	v15 =	vld [tilespmem:s25+$0xFFFFFF10]  }
0x89: {  	v0 =	vld.idx.msk [tilespmem:v0+s4+$0x0], $0xffff  }
0x8a: {  	v1 =	vld.idx.msk [tilespmem:v1+s4+$0x0], $0xffff  }
0x8b: {  	v2 =	vld.idx.msk [tilespmem:v2+s4+$0x0], $0xffff  }
0x8c: {  	v3 =	vld.idx.msk [tilespmem:v3+s4+$0x0], $0xffff  }
0x8d: {  	v4 =	vld.idx.msk [tilespmem:v4+s4+$0x0], $0xffff  }
0x8e: {  	s25 =	simm.s32 $0x1CC80;
	v5 =	vld.idx.msk [tilespmem:v5+s4+$0x0], $0xffff  }
0x8f: {  	v6 =	vld.idx.msk [tilespmem:v6+s4+$0x0], $0xffff;
	[tilespmem:s25+$0x70] =	vst v0  }
0x90: {  	v7 =	vld.idx.msk [tilespmem:v7+s4+$0x0], $0xffff;
	[tilespmem:s25+$0xFFFFFF10] =	vst v1  }
0x91: {  	v15 =	vld.idx.msk [tilespmem:v15+s4+$0x0], $0xffff;
	[tilespmem:s25+$0xFFFFFF20] =	vst v2  }
0x92: {  	v8 =	vld.idx.msk [tilespmem:v8+s4+$0x0], $0xffff;
	[tilespmem:s25+$0xFFFFFF30] =	vst v3  }
0x93: {  	[tilespmem:s25+$0xFFFFFF40] =	vst v4;
	v0 =	vld.idx.msk [tilespmem:v9+s4+$0x0], $0xffff  }
0x94: {  	[tilespmem:s25+$0xFFFFFF50] =	vst v5;
	v1 =	vld.idx.msk [tilespmem:v10+s4+$0x0], $0xffff  }
0x95: {  	[tilespmem:s25+$0xFFFFFF60] =	vst v6;
	v2 =	vld.idx.msk [tilespmem:v11+s4+$0x0], $0xffff  }
0x96: {  	[tilespmem:s25+$0xFFFFFF70] =	vst v7;
	v3 =	vld.idx.msk [tilespmem:v12+s4+$0x0], $0xffff  }
0x97: {  	[tilespmem:s25+$0xFFFFFF00] =	vst v15;
	v4 =	vld.idx.msk [tilespmem:v13+s4+$0x0], $0xffff  }
0x98: {  	s26 =	simm.s32 $0x0;
	s28 =	simm.s32 $0x19CF0;
	[tilespmem:s25+$0x0] =	vst v8;
	v5 =	vld.idx.msk [tilespmem:v14+s4+$0x0], $0xffff  }
.LBB2_7:
0x99: {  	v6 =	vld [tilespmem:s28+$0x0];
	s26 =	sadd.s32 $0x100, s26;
	[tilespmem:s25+$0x10] =	vst v0  }
0x9a: {  	v0 =	vld [tilespmem:s28+$0xFFFFFF20];
	p1 =	slt.u32 s26, $0xF00;
	[tilespmem:s25+$0x20] =	vst v1  }
0x9b: {  	v1 =	vld [tilespmem:s28+$0xFFFFFF30];
	[tilespmem:s25+$0x30] =	vst v2  }
0x9c: {  	v2 =	vld [tilespmem:s28+$0xFFFFFF40];
	[tilespmem:s25+$0x40] =	vst v3  }
0x9d: {  	v3 =	vld [tilespmem:s28+$0xFFFFFF50];
	[tilespmem:s25+$0x50] =	vst v4  }
0x9e: {  	v4 =	vld [tilespmem:s28+$0xFFFFFF60];
	[tilespmem:s25+$0x60] =	vst v5  }
0x9f: {  	v5 =	vld [tilespmem:s28+$0xFFFFFF70]  }
0xa0: {  	v7 =	vld [tilespmem:s28+$0xFFFFFF80]  }
0xa1: {  	v6 =	vld.idx.msk [tilespmem:v6+s4+$0x0], $0xffff  }
0xa2: {  	v8 =	vld [tilespmem:s28+$0xFFFFFF90]  }
0xa3: {  	v9 =	vld [tilespmem:s28+$0xFFFFFFA0]  }
0xa4: {  	v10 =	vld [tilespmem:s28+$0xFFFFFFB0]  }
0xa5: {  	v11 =	vld [tilespmem:s28+$0xFFFFFFC0]  }
0xa6: {  	s25 =	sadd.s32 $0x200, s25;
	v12 =	vld [tilespmem:s28+$0xFFFFFFD0]  }
0xa7: {  	v13 =	vld [tilespmem:s28+$0xFFFFFFE0];
	[tilespmem:s25+$0x70] =	vst v6  }
0xa8: {  	v6 =	vld [tilespmem:s28+$0xFFFFFFF0]  }
0xa9: {  	v14 =	vld [tilespmem:s28+$0xFFFFFF10]  }
0xaa: {  	v0 =	vld.idx.msk [tilespmem:v0+s4+$0x0], $0xffff  }
0xab: {  	v1 =	vld.idx.msk [tilespmem:v1+s4+$0x0], $0xffff  }
0xac: {  	v2 =	vld.idx.msk [tilespmem:v2+s4+$0x0], $0xffff  }
0xad: {  	v3 =	vld.idx.msk [tilespmem:v3+s4+$0x0], $0xffff  }
0xae: {  	v4 =	vld.idx.msk [tilespmem:v4+s4+$0x0], $0xffff  }
0xaf: {  	v5 =	vld.idx.msk [tilespmem:v5+s4+$0x0], $0xffff  }
0xb0: {  	[tilespmem:s25+$0xFFFFFF10] =	vst v0;
	v7 =	vld.idx.msk [tilespmem:v7+s4+$0x0], $0xffff  }
0xb1: {  	v14 =	vld.idx.msk [tilespmem:v14+s4+$0x0], $0xffff;
	[tilespmem:s25+$0xFFFFFF20] =	vst v1  }
0xb2: {  	[tilespmem:s25+$0xFFFFFF30] =	vst v2;
	v8 =	vld.idx.msk [tilespmem:v8+s4+$0x0], $0xffff  }
0xb3: {  	[tilespmem:s25+$0xFFFFFF40] =	vst v3;
	v0 =	vld.idx.msk [tilespmem:v9+s4+$0x0], $0xffff  }
.Ltmp5:
0xb4: {  	[tilespmem:s25+$0xFFFFFF50] =	vst v4;
	v1 =	vld.idx.msk [tilespmem:v10+s4+$0x0], $0xffff;
	(pc) =	sbr.rel @p1 .LBB2_7-.Ltmp5, $4  }
0xb5: {  	[tilespmem:s25+$0xFFFFFF60] =	vst v5;
	v2 =	vld.idx.msk [tilespmem:v11+s4+$0x0], $0xffff  }
0xb6: {  	[tilespmem:s25+$0xFFFFFF70] =	vst v7;
	v3 =	vld.idx.msk [tilespmem:v12+s4+$0x0], $0xffff  }
0xb7: {  	[tilespmem:s25+$0xFFFFFF00] =	vst v14;
	v4 =	vld.idx.msk [tilespmem:v13+s4+$0x0], $0xffff  }
0xb8: {  	s28 =	sadd.s32 $0x100, s28;
	[tilespmem:s25+$0x0] =	vst v8;
	v5 =	vld.idx.msk [tilespmem:v6+s4+$0x0], $0xffff  }
0xb9: {  	[tilespmem:s25+$0x10] =	vst v0  }
0xba: {  	[tilespmem:s25+$0x20] =	vst v1  }
0xbb: {  	[tilespmem:s25+$0x30] =	vst v2  }
0xbc: {  	[tilespmem:s25+$0x40] =	vst v3  }
0xbd: {  	s26 =	simm.s32 $0x1CB80;
	[tilespmem:s25+$0x50] =	vst v4  }
0xbe: {  	s29 =	sadd.s32 $0x0, s12;
	s28 =	simm.s32 $0x1CC80;
	[tilespmem:s25+$0x60] =	vst v5;
	s25 =	simm.s32 $0x80  }
.LBB2_9:
0xbf: {  	[hbm4b:s29+s4] =	stream.linear.scatter [tilespmem:s26], [sflag:$0x4], $0x80, $0x38;
	[tilespmem:$0x1EB00] =	vst v63  }
0xc0: {  	s29 =	smov.u32 s25;
	s26 =	smov.u32 s28;
	p1 =	sne.s32 s25, $0xF80  }
.Ltmp6:
0xc1: {  	s25 =	sadd.s32 $0x80, s25;
	(pc) =	sbr.rel @p1 .LBB2_9-.Ltmp6, $2  }
0xc2: {  	_ =	sdelay $0x2  }
0xc3: {  	s28 =	sadd.s32 $0x100, s28;
	s29 =	sadd.s32 s29, s12  }
0xc4: {  	[hbm4b:s29+s4] =	stream.linear.scatter [tilespmem:s26], [sflag:$0x4], $0x80, $0x38;
	[tilespmem:$0x1EB00] =	vst v63  }
0xc5: {  	_ =	swait.ge [sflag:s21], $0x1000  }
0xc6: {  	[sflag:s21] =	ssyncset.done $0x0  }
0xc7: {  	s25 =	simm.s32 $0x1ABF0;
	[sflag:s21] =	ssyncadd.s32 $0xFFFFF000  }
0xc8: {  	v0 =	vld [tilespmem:s25+$0x0]  }
0xc9: {  	v1 =	vld [tilespmem:s25+$0xFFFFFF20]  }
0xca: {  	v2 =	vld [tilespmem:s25+$0xFFFFFF30]  }
0xcb: {  	v3 =	vld [tilespmem:s25+$0xFFFFFF40]  }
0xcc: {  	v4 =	vld [tilespmem:s25+$0xFFFFFF50]  }
0xcd: {  	v5 =	vld [tilespmem:s25+$0xFFFFFF60]  }
0xce: {  	v6 =	vld [tilespmem:s25+$0xFFFFFF70]  }
0xcf: {  	v7 =	vld [tilespmem:s25+$0xFFFFFF80]  }
0xd0: {  	v8 =	vld [tilespmem:s25+$0xFFFFFF90]  }
0xd1: {  	v9 =	vld [tilespmem:s25+$0xFFFFFFA0]  }
0xd2: {  	v10 =	vld [tilespmem:s25+$0xFFFFFFB0]  }
0xd3: {  	v11 =	vld [tilespmem:s25+$0xFFFFFFC0]  }
0xd4: {  	v12 =	vld [tilespmem:s25+$0xFFFFFFD0]  }
0xd5: {  	v13 =	vld [tilespmem:s25+$0xFFFFFFE0]  }
0xd6: {  	v14 =	vld [tilespmem:s25+$0xFFFFFFF0]  }
0xd7: {  	v15 =	vld [tilespmem:s25+$0xFFFFFF10]  }
0xd8: {  	v0 =	vld.idx.msk [tilespmem:v0+s4+$0x0], $0xffff  }
0xd9: {  	v1 =	vld.idx.msk [tilespmem:v1+s4+$0x0], $0xffff  }
0xda: {  	v2 =	vld.idx.msk [tilespmem:v2+s4+$0x0], $0xffff  }
0xdb: {  	v3 =	vld.idx.msk [tilespmem:v3+s4+$0x0], $0xffff  }
0xdc: {  	v4 =	vld.idx.msk [tilespmem:v4+s4+$0x0], $0xffff  }
0xdd: {  	s25 =	simm.s32 $0x1CC00;
	v5 =	vld.idx.msk [tilespmem:v5+s4+$0x0], $0xffff  }
0xde: {  	v6 =	vld.idx.msk [tilespmem:v6+s4+$0x0], $0xffff;
	[tilespmem:s25+$0x70] =	vst v0  }
0xdf: {  	v7 =	vld.idx.msk [tilespmem:v7+s4+$0x0], $0xffff;
	[tilespmem:s25+$0xFFFFFF10] =	vst v1  }
0xe0: {  	v15 =	vld.idx.msk [tilespmem:v15+s4+$0x0], $0xffff;
	[tilespmem:s25+$0xFFFFFF20] =	vst v2  }
0xe1: {  	v8 =	vld.idx.msk [tilespmem:v8+s4+$0x0], $0xffff;
	[tilespmem:s25+$0xFFFFFF30] =	vst v3  }
0xe2: {  	[tilespmem:s25+$0xFFFFFF40] =	vst v4;
	v0 =	vld.idx.msk [tilespmem:v9+s4+$0x0], $0xffff  }
0xe3: {  	[tilespmem:s25+$0xFFFFFF50] =	vst v5;
	v1 =	vld.idx.msk [tilespmem:v10+s4+$0x0], $0xffff  }
0xe4: {  	[tilespmem:s25+$0xFFFFFF60] =	vst v6;
	v2 =	vld.idx.msk [tilespmem:v11+s4+$0x0], $0xffff  }
0xe5: {  	[tilespmem:s25+$0xFFFFFF70] =	vst v7;
	v3 =	vld.idx.msk [tilespmem:v12+s4+$0x0], $0xffff  }
0xe6: {  	[tilespmem:s25+$0xFFFFFF00] =	vst v15;
	v4 =	vld.idx.msk [tilespmem:v13+s4+$0x0], $0xffff  }
0xe7: {  	s26 =	simm.s32 $0x0;
	s28 =	simm.s32 $0x1ACF0;
	[tilespmem:s25+$0x0] =	vst v8;
	v5 =	vld.idx.msk [tilespmem:v14+s4+$0x0], $0xffff  }
.LBB2_11:
0xe8: {  	v6 =	vld [tilespmem:s28+$0x0];
	s26 =	sadd.s32 $0x100, s26;
	[tilespmem:s25+$0x10] =	vst v0  }
0xe9: {  	v0 =	vld [tilespmem:s28+$0xFFFFFF20];
	p1 =	slt.u32 s26, $0xF00;
	[tilespmem:s25+$0x20] =	vst v1  }
0xea: {  	v1 =	vld [tilespmem:s28+$0xFFFFFF30];
	[tilespmem:s25+$0x30] =	vst v2  }
0xeb: {  	v2 =	vld [tilespmem:s28+$0xFFFFFF40];
	[tilespmem:s25+$0x40] =	vst v3  }
0xec: {  	v3 =	vld [tilespmem:s28+$0xFFFFFF50];
	[tilespmem:s25+$0x50] =	vst v4  }
0xed: {  	v4 =	vld [tilespmem:s28+$0xFFFFFF60];
	[tilespmem:s25+$0x60] =	vst v5  }
0xee: {  	v5 =	vld [tilespmem:s28+$0xFFFFFF70]  }
0xef: {  	v7 =	vld [tilespmem:s28+$0xFFFFFF80]  }
0xf0: {  	v6 =	vld.idx.msk [tilespmem:v6+s4+$0x0], $0xffff  }
0xf1: {  	v8 =	vld [tilespmem:s28+$0xFFFFFF90]  }
0xf2: {  	v9 =	vld [tilespmem:s28+$0xFFFFFFA0]  }
0xf3: {  	v10 =	vld [tilespmem:s28+$0xFFFFFFB0]  }
0xf4: {  	v11 =	vld [tilespmem:s28+$0xFFFFFFC0]  }
0xf5: {  	s25 =	sadd.s32 $0x200, s25;
	v12 =	vld [tilespmem:s28+$0xFFFFFFD0]  }
0xf6: {  	v13 =	vld [tilespmem:s28+$0xFFFFFFE0];
	[tilespmem:s25+$0x70] =	vst v6  }
0xf7: {  	v6 =	vld [tilespmem:s28+$0xFFFFFFF0]  }
0xf8: {  	v14 =	vld [tilespmem:s28+$0xFFFFFF10]  }
0xf9: {  	v0 =	vld.idx.msk [tilespmem:v0+s4+$0x0], $0xffff  }
0xfa: {  	v1 =	vld.idx.msk [tilespmem:v1+s4+$0x0], $0xffff  }
0xfb: {  	v2 =	vld.idx.msk [tilespmem:v2+s4+$0x0], $0xffff  }
0xfc: {  	v3 =	vld.idx.msk [tilespmem:v3+s4+$0x0], $0xffff  }
0xfd: {  	v4 =	vld.idx.msk [tilespmem:v4+s4+$0x0], $0xffff  }
0xfe: {  	v5 =	vld.idx.msk [tilespmem:v5+s4+$0x0], $0xffff  }
0xff: {  	[tilespmem:s25+$0xFFFFFF10] =	vst v0;
	v7 =	vld.idx.msk [tilespmem:v7+s4+$0x0], $0xffff  }
0x100: {  	v14 =	vld.idx.msk [tilespmem:v14+s4+$0x0], $0xffff;
	[tilespmem:s25+$0xFFFFFF20] =	vst v1  }
0x101: {  	[tilespmem:s25+$0xFFFFFF30] =	vst v2;
	v8 =	vld.idx.msk [tilespmem:v8+s4+$0x0], $0xffff  }
0x102: {  	[tilespmem:s25+$0xFFFFFF40] =	vst v3;
	v0 =	vld.idx.msk [tilespmem:v9+s4+$0x0], $0xffff  }
.Ltmp7:
0x103: {  	[tilespmem:s25+$0xFFFFFF50] =	vst v4;
	v1 =	vld.idx.msk [tilespmem:v10+s4+$0x0], $0xffff;
	(pc) =	sbr.rel @p1 .LBB2_11-.Ltmp7, $4  }
0x104: {  	[tilespmem:s25+$0xFFFFFF60] =	vst v5;
	v2 =	vld.idx.msk [tilespmem:v11+s4+$0x0], $0xffff  }
0x105: {  	[tilespmem:s25+$0xFFFFFF70] =	vst v7;
	v3 =	vld.idx.msk [tilespmem:v12+s4+$0x0], $0xffff  }
0x106: {  	[tilespmem:s25+$0xFFFFFF00] =	vst v14;
	v4 =	vld.idx.msk [tilespmem:v13+s4+$0x0], $0xffff  }
0x107: {  	s28 =	sadd.s32 $0x100, s28;
	[tilespmem:s25+$0x0] =	vst v8;
	v5 =	vld.idx.msk [tilespmem:v6+s4+$0x0], $0xffff  }
0x108: {  	[tilespmem:s25+$0x10] =	vst v0  }
0x109: {  	[tilespmem:s25+$0x20] =	vst v1  }
0x10a: {  	[tilespmem:s25+$0x30] =	vst v2  }
0x10b: {  	[tilespmem:s25+$0x40] =	vst v3  }
0x10c: {  	s26 =	simm.s32 $0x1CB00;
	[tilespmem:s25+$0x50] =	vst v4  }
0x10d: {  	s29 =	sadd.s32 $0x0, s13;
	s28 =	simm.s32 $0x1CC00;
	[tilespmem:s25+$0x60] =	vst v5;
	s25 =	simm.s32 $0x80  }
.LBB2_13:
0x10e: {  	[hbm4b:s29+s4] =	stream.linear.scatter [tilespmem:s26], [sflag:$0x3], $0x80, $0x38;
	[tilespmem:$0x1EB00] =	vst v63  }
0x10f: {  	s29 =	smov.u32 s25;
	s26 =	smov.u32 s28;
	p1 =	sne.s32 s25, $0xF80  }
.Ltmp8:
0x110: {  	s25 =	sadd.s32 $0x80, s25;
	(pc) =	sbr.rel @p1 .LBB2_13-.Ltmp8, $2  }
0x111: {  	_ =	sdelay $0x2  }
0x112: {  	s28 =	sadd.s32 $0x100, s28;
	s29 =	sadd.s32 s29, s13  }
0x113: {  	[hbm4b:s29+s4] =	stream.linear.scatter [tilespmem:s26], [sflag:$0x3], $0x80, $0x38;
	[tilespmem:$0x1EB00] =	vst v63  }
0x114: {  	_ =	swait.ge [sflag:s22], $0x1000  }
0x115: {  	[sflag:s22] =	ssyncset.done $0x0  }
0x116: {  	s25 =	simm.s32 $0x1BBF0;
	[sflag:s22] =	ssyncadd.s32 $0xFFFFF000  }
0x117: {  	v0 =	vld [tilespmem:s25+$0x0]  }
0x118: {  	v1 =	vld [tilespmem:s25+$0xFFFFFF20]  }
0x119: {  	v2 =	vld [tilespmem:s25+$0xFFFFFF30]  }
0x11a: {  	v3 =	vld [tilespmem:s25+$0xFFFFFF40]  }
0x11b: {  	v4 =	vld [tilespmem:s25+$0xFFFFFF50]  }
0x11c: {  	v5 =	vld [tilespmem:s25+$0xFFFFFF60]  }
0x11d: {  	v6 =	vld [tilespmem:s25+$0xFFFFFF70]  }
0x11e: {  	v7 =	vld [tilespmem:s25+$0xFFFFFF80]  }
0x11f: {  	v8 =	vld [tilespmem:s25+$0xFFFFFF90]  }
0x120: {  	v9 =	vld [tilespmem:s25+$0xFFFFFFA0]  }
0x121: {  	v10 =	vld [tilespmem:s25+$0xFFFFFFB0]  }
0x122: {  	v11 =	vld [tilespmem:s25+$0xFFFFFFC0]  }
0x123: {  	v12 =	vld [tilespmem:s25+$0xFFFFFFD0]  }
0x124: {  	v13 =	vld [tilespmem:s25+$0xFFFFFFE0]  }
0x125: {  	v14 =	vld [tilespmem:s25+$0xFFFFFFF0]  }
0x126: {  	v15 =	vld [tilespmem:s25+$0xFFFFFF10]  }
0x127: {  	v0 =	vld.idx.msk [tilespmem:v0+s4+$0x0], $0xffff  }
0x128: {  	v1 =	vld.idx.msk [tilespmem:v1+s4+$0x0], $0xffff  }
0x129: {  	v2 =	vld.idx.msk [tilespmem:v2+s4+$0x0], $0xffff  }
0x12a: {  	v3 =	vld.idx.msk [tilespmem:v3+s4+$0x0], $0xffff  }
0x12b: {  	v4 =	vld.idx.msk [tilespmem:v4+s4+$0x0], $0xffff  }
0x12c: {  	s25 =	simm.s32 $0x1CC80;
	v5 =	vld.idx.msk [tilespmem:v5+s4+$0x0], $0xffff  }
0x12d: {  	v6 =	vld.idx.msk [tilespmem:v6+s4+$0x0], $0xffff;
	[tilespmem:s25+$0x70] =	vst v0  }
0x12e: {  	v7 =	vld.idx.msk [tilespmem:v7+s4+$0x0], $0xffff;
	[tilespmem:s25+$0xFFFFFF10] =	vst v1  }
0x12f: {  	v15 =	vld.idx.msk [tilespmem:v15+s4+$0x0], $0xffff;
	[tilespmem:s25+$0xFFFFFF20] =	vst v2  }
0x130: {  	v8 =	vld.idx.msk [tilespmem:v8+s4+$0x0], $0xffff;
	[tilespmem:s25+$0xFFFFFF30] =	vst v3  }
0x131: {  	[tilespmem:s25+$0xFFFFFF40] =	vst v4;
	v0 =	vld.idx.msk [tilespmem:v9+s4+$0x0], $0xffff  }
0x132: {  	[tilespmem:s25+$0xFFFFFF50] =	vst v5;
	v1 =	vld.idx.msk [tilespmem:v10+s4+$0x0], $0xffff  }
0x133: {  	[tilespmem:s25+$0xFFFFFF60] =	vst v6;
	v2 =	vld.idx.msk [tilespmem:v11+s4+$0x0], $0xffff  }
0x134: {  	[tilespmem:s25+$0xFFFFFF70] =	vst v7;
	v3 =	vld.idx.msk [tilespmem:v12+s4+$0x0], $0xffff  }
0x135: {  	[tilespmem:s25+$0xFFFFFF00] =	vst v15;
	v4 =	vld.idx.msk [tilespmem:v13+s4+$0x0], $0xffff  }
0x136: {  	s26 =	simm.s32 $0x0;
	s28 =	simm.s32 $0x1BCF0;
	[tilespmem:s25+$0x0] =	vst v8;
	v5 =	vld.idx.msk [tilespmem:v14+s4+$0x0], $0xffff  }
.LBB2_15:
0x137: {  	v6 =	vld [tilespmem:s28+$0x0];
	s26 =	sadd.s32 $0x100, s26;
	[tilespmem:s25+$0x10] =	vst v0  }
0x138: {  	v0 =	vld [tilespmem:s28+$0xFFFFFF20];
	p1 =	slt.u32 s26, $0xF00;
	[tilespmem:s25+$0x20] =	vst v1  }
0x139: {  	v1 =	vld [tilespmem:s28+$0xFFFFFF30];
	[tilespmem:s25+$0x30] =	vst v2  }
0x13a: {  	v2 =	vld [tilespmem:s28+$0xFFFFFF40];
	[tilespmem:s25+$0x40] =	vst v3  }
0x13b: {  	v3 =	vld [tilespmem:s28+$0xFFFFFF50];
	[tilespmem:s25+$0x50] =	vst v4  }
0x13c: {  	v4 =	vld [tilespmem:s28+$0xFFFFFF60];
	[tilespmem:s25+$0x60] =	vst v5  }
0x13d: {  	v5 =	vld [tilespmem:s28+$0xFFFFFF70]  }
0x13e: {  	v7 =	vld [tilespmem:s28+$0xFFFFFF80]  }
0x13f: {  	v6 =	vld.idx.msk [tilespmem:v6+s4+$0x0], $0xffff  }
0x140: {  	v8 =	vld [tilespmem:s28+$0xFFFFFF90]  }
0x141: {  	v9 =	vld [tilespmem:s28+$0xFFFFFFA0]  }
0x142: {  	v10 =	vld [tilespmem:s28+$0xFFFFFFB0]  }
0x143: {  	v11 =	vld [tilespmem:s28+$0xFFFFFFC0]  }
0x144: {  	s25 =	sadd.s32 $0x200, s25;
	v12 =	vld [tilespmem:s28+$0xFFFFFFD0]  }
0x145: {  	v13 =	vld [tilespmem:s28+$0xFFFFFFE0];
	[tilespmem:s25+$0x70] =	vst v6  }
0x146: {  	v6 =	vld [tilespmem:s28+$0xFFFFFFF0]  }
0x147: {  	v14 =	vld [tilespmem:s28+$0xFFFFFF10]  }
0x148: {  	v0 =	vld.idx.msk [tilespmem:v0+s4+$0x0], $0xffff  }
0x149: {  	v1 =	vld.idx.msk [tilespmem:v1+s4+$0x0], $0xffff  }
0x14a: {  	v2 =	vld.idx.msk [tilespmem:v2+s4+$0x0], $0xffff  }
0x14b: {  	v3 =	vld.idx.msk [tilespmem:v3+s4+$0x0], $0xffff  }
0x14c: {  	v4 =	vld.idx.msk [tilespmem:v4+s4+$0x0], $0xffff  }
0x14d: {  	v5 =	vld.idx.msk [tilespmem:v5+s4+$0x0], $0xffff  }
0x14e: {  	[tilespmem:s25+$0xFFFFFF10] =	vst v0;
	v7 =	vld.idx.msk [tilespmem:v7+s4+$0x0], $0xffff  }
0x14f: {  	v14 =	vld.idx.msk [tilespmem:v14+s4+$0x0], $0xffff;
	[tilespmem:s25+$0xFFFFFF20] =	vst v1  }
0x150: {  	[tilespmem:s25+$0xFFFFFF30] =	vst v2;
	v8 =	vld.idx.msk [tilespmem:v8+s4+$0x0], $0xffff  }
0x151: {  	[tilespmem:s25+$0xFFFFFF40] =	vst v3;
	v0 =	vld.idx.msk [tilespmem:v9+s4+$0x0], $0xffff  }
.Ltmp9:
0x152: {  	[tilespmem:s25+$0xFFFFFF50] =	vst v4;
	v1 =	vld.idx.msk [tilespmem:v10+s4+$0x0], $0xffff;
	(pc) =	sbr.rel @p1 .LBB2_15-.Ltmp9, $4  }
0x153: {  	[tilespmem:s25+$0xFFFFFF60] =	vst v5;
	v2 =	vld.idx.msk [tilespmem:v11+s4+$0x0], $0xffff  }
0x154: {  	[tilespmem:s25+$0xFFFFFF70] =	vst v7;
	v3 =	vld.idx.msk [tilespmem:v12+s4+$0x0], $0xffff  }
0x155: {  	[tilespmem:s25+$0xFFFFFF00] =	vst v14;
	v4 =	vld.idx.msk [tilespmem:v13+s4+$0x0], $0xffff  }
0x156: {  	s28 =	sadd.s32 $0x100, s28;
	[tilespmem:s25+$0x0] =	vst v8;
	v5 =	vld.idx.msk [tilespmem:v6+s4+$0x0], $0xffff  }
0x157: {  	[tilespmem:s25+$0x10] =	vst v0  }
0x158: {  	[tilespmem:s25+$0x20] =	vst v1  }
0x159: {  	[tilespmem:s25+$0x30] =	vst v2  }
0x15a: {  	[tilespmem:s25+$0x40] =	vst v3  }
0x15b: {  	s26 =	simm.s32 $0x1CB80;
	[tilespmem:s25+$0x50] =	vst v4  }
0x15c: {  	s29 =	sadd.s32 $0x0, s14;
	s28 =	simm.s32 $0x1CC80;
	[tilespmem:s25+$0x60] =	vst v5;
	s25 =	simm.s32 $0x80  }
.LBB2_17:
0x15d: {  	[hbm4b:s29+s4] =	stream.linear.scatter [tilespmem:s26], [sflag:$0x4], $0x80, $0x38;
	[tilespmem:$0x1EB00] =	vst v63  }
0x15e: {  	s29 =	smov.u32 s25;
	s26 =	smov.u32 s28;
	p1 =	seq.s32 s25, $0xF80  }
.Ltmp10:
0x15f: {  	s25 =	sadd.s32 $0x80, s25;
	(pc) =	sbr.rel @!p1 .LBB2_17-.Ltmp10, $2  }
0x160: {  	_ =	sdelay $0x2  }
0x161: {  	s28 =	sadd.s32 $0x100, s28;
	s29 =	sadd.s32 s29, s14  }
.Ltmp11:
0x162: {  	(pc) =	sbr.rel .LBB2_36-.Ltmp11, $2  }
0x163: {  	_ =	sdelay $0x2  }
0x164: {  	[hbm4b:s29+s4] =	stream.linear.scatter [tilespmem:s26], [sflag:$0x4], $0x80, $0x38;
	[tilespmem:$0x1EB00] =	vst v63  }
.LBB2_19:
0x165: {  	[tilespmem:s23], [sflag:$0x1] =	stream.strided.gather [hbm4b:s5+s16], $0x400, s17, s16, $0x38;
	[tilespmem:$0x1EB00] =	vst v63  }
0x166: {  	_ = 	snop  }
0x167: {  	[tilespmem:s18], [sflag:$0x2] =	stream.linear.gather [hbm4b:s2+s4], $0x4000, $0x38;
	[tilespmem:$0x1EB00] =	vst v63  }
0x168: {  	_ =	swait.ge [sflag:s19], $0x400  }
0x169: {  	[sflag:s19] =	ssyncset.done $0x0  }
0x16a: {  	[sflag:s19] =	ssyncadd.s32 $0xFFFFFC00  }
0x16b: {  	_ =	swait.ge [sflag:s20], $0x4000  }
0x16c: {  	[sflag:s20] =	ssyncset.done $0x0  }
0x16d: {  	s25 =	simm.s32 $0x18B80;
	[sflag:s20] =	ssyncadd.s32 $0xFFFFC000  }
0x16e: {  	v0 =	vld [tilespmem:s25+$0x70]  }
0x16f: {  	v1 =	vld [tilespmem:s25+$0xFFFFFF90]  }
0x170: {  	v2 =	vld [tilespmem:s25+$0xFFFFFFA0]  }
0x171: {  	v3 =	vld [tilespmem:s25+$0xFFFFFFB0]  }
0x172: {  	v4 =	vld [tilespmem:s25+$0xFFFFFFC0]  }
0x173: {  	v5 =	vld [tilespmem:s25+$0xFFFFFFD0]  }
0x174: {  	v6 =	vld [tilespmem:s25+$0xFFFFFFE0]  }
0x175: {  	v7 =	vld [tilespmem:s25+$0xFFFFFFF0]  }
0x176: {  	v8 =	vld [tilespmem:s25+$0x0]  }
0x177: {  	v9 =	vld [tilespmem:s25+$0x10]  }
0x178: {  	v10 =	vld [tilespmem:s25+$0x20]  }
0x179: {  	v11 =	vld [tilespmem:s25+$0x30]  }
0x17a: {  	v12 =	vld [tilespmem:s25+$0x40]  }
0x17b: {  	v13 =	vld [tilespmem:s25+$0x50]  }
0x17c: {  	v14 =	vld [tilespmem:s25+$0x60]  }
0x17d: {  	v15 =	vld [tilespmem:s25+$0xFFFFFF80]  }
0x17e: {  	v0 =	vld.idx.msk [tilespmem:v0+s23+$0x0], $0xffff  }
0x17f: {  	v1 =	vld.idx.msk [tilespmem:v1+s23+$0x0], $0xffff  }
0x180: {  	v2 =	vld.idx.msk [tilespmem:v2+s23+$0x0], $0xffff  }
0x181: {  	v3 =	vld.idx.msk [tilespmem:v3+s23+$0x0], $0xffff  }
0x182: {  	v4 =	vld.idx.msk [tilespmem:v4+s23+$0x0], $0xffff  }
0x183: {  	s25 =	simm.s32 $0x1CC00;
	v5 =	vld.idx.msk [tilespmem:v5+s23+$0x0], $0xffff  }
0x184: {  	v6 =	vld.idx.msk [tilespmem:v6+s23+$0x0], $0xffff;
	[tilespmem:s25+$0x70] =	vst v0  }
0x185: {  	v7 =	vld.idx.msk [tilespmem:v7+s23+$0x0], $0xffff;
	[tilespmem:s25+$0xFFFFFF10] =	vst v1  }
0x186: {  	v15 =	vld.idx.msk [tilespmem:v15+s23+$0x0], $0xffff;
	[tilespmem:s25+$0xFFFFFF20] =	vst v2  }
0x187: {  	v8 =	vld.idx.msk [tilespmem:v8+s23+$0x0], $0xffff;
	[tilespmem:s25+$0xFFFFFF30] =	vst v3  }
0x188: {  	[tilespmem:s25+$0xFFFFFF40] =	vst v4;
	v0 =	vld.idx.msk [tilespmem:v9+s23+$0x0], $0xffff  }
0x189: {  	[tilespmem:s25+$0xFFFFFF50] =	vst v5;
	v1 =	vld.idx.msk [tilespmem:v10+s23+$0x0], $0xffff  }
0x18a: {  	[tilespmem:s25+$0xFFFFFF60] =	vst v6;
	v2 =	vld.idx.msk [tilespmem:v11+s23+$0x0], $0xffff  }
0x18b: {  	[tilespmem:s25+$0xFFFFFF70] =	vst v7;
	v3 =	vld.idx.msk [tilespmem:v12+s23+$0x0], $0xffff  }
0x18c: {  	[tilespmem:s25+$0xFFFFFF00] =	vst v15;
	v4 =	vld.idx.msk [tilespmem:v13+s23+$0x0], $0xffff  }
0x18d: {  	s26 =	simm.s32 $0x0;
	s28 =	simm.s32 $0x18C80;
	[tilespmem:s25+$0x0] =	vst v8;
	v5 =	vld.idx.msk [tilespmem:v14+s23+$0x0], $0xffff  }
.LBB2_20:
0x18e: {  	v6 =	vld [tilespmem:s28+$0x70];
	s26 =	sadd.s32 $0x100, s26;
	[tilespmem:s25+$0x10] =	vst v0  }
0x18f: {  	v0 =	vld [tilespmem:s28+$0xFFFFFF90];
	p1 =	slt.u32 s26, $0xF00;
	[tilespmem:s25+$0x20] =	vst v1  }
0x190: {  	v1 =	vld [tilespmem:s28+$0xFFFFFFA0];
	[tilespmem:s25+$0x30] =	vst v2  }
0x191: {  	v2 =	vld [tilespmem:s28+$0xFFFFFFB0];
	[tilespmem:s25+$0x40] =	vst v3  }
0x192: {  	v3 =	vld [tilespmem:s28+$0xFFFFFFC0];
	[tilespmem:s25+$0x50] =	vst v4  }
0x193: {  	v4 =	vld [tilespmem:s28+$0xFFFFFFD0];
	[tilespmem:s25+$0x60] =	vst v5  }
0x194: {  	v5 =	vld [tilespmem:s28+$0xFFFFFFE0]  }
0x195: {  	v7 =	vld [tilespmem:s28+$0xFFFFFFF0]  }
0x196: {  	v6 =	vld.idx.msk [tilespmem:v6+s23+$0x0], $0xffff  }
0x197: {  	v8 =	vld [tilespmem:s28+$0x0]  }
0x198: {  	v9 =	vld [tilespmem:s28+$0x10]  }
0x199: {  	v10 =	vld [tilespmem:s28+$0x20]  }
0x19a: {  	v11 =	vld [tilespmem:s28+$0x30]  }
0x19b: {  	s25 =	sadd.s32 $0x200, s25;
	v12 =	vld [tilespmem:s28+$0x40]  }
0x19c: {  	v13 =	vld [tilespmem:s28+$0x50];
	[tilespmem:s25+$0x70] =	vst v6  }
0x19d: {  	v6 =	vld [tilespmem:s28+$0x60]  }
0x19e: {  	v14 =	vld [tilespmem:s28+$0xFFFFFF80]  }
0x19f: {  	v0 =	vld.idx.msk [tilespmem:v0+s23+$0x0], $0xffff  }
0x1a0: {  	v1 =	vld.idx.msk [tilespmem:v1+s23+$0x0], $0xffff  }
0x1a1: {  	v2 =	vld.idx.msk [tilespmem:v2+s23+$0x0], $0xffff  }
0x1a2: {  	v3 =	vld.idx.msk [tilespmem:v3+s23+$0x0], $0xffff  }
0x1a3: {  	v4 =	vld.idx.msk [tilespmem:v4+s23+$0x0], $0xffff  }
0x1a4: {  	v5 =	vld.idx.msk [tilespmem:v5+s23+$0x0], $0xffff  }
0x1a5: {  	[tilespmem:s25+$0xFFFFFF10] =	vst v0;
	v7 =	vld.idx.msk [tilespmem:v7+s23+$0x0], $0xffff  }
0x1a6: {  	v14 =	vld.idx.msk [tilespmem:v14+s23+$0x0], $0xffff;
	[tilespmem:s25+$0xFFFFFF20] =	vst v1  }
0x1a7: {  	[tilespmem:s25+$0xFFFFFF30] =	vst v2;
	v8 =	vld.idx.msk [tilespmem:v8+s23+$0x0], $0xffff  }
0x1a8: {  	[tilespmem:s25+$0xFFFFFF40] =	vst v3;
	v0 =	vld.idx.msk [tilespmem:v9+s23+$0x0], $0xffff  }
.Ltmp12:
0x1a9: {  	[tilespmem:s25+$0xFFFFFF50] =	vst v4;
	v1 =	vld.idx.msk [tilespmem:v10+s23+$0x0], $0xffff;
	(pc) =	sbr.rel @p1 .LBB2_20-.Ltmp12, $4  }
0x1aa: {  	[tilespmem:s25+$0xFFFFFF60] =	vst v5;
	v2 =	vld.idx.msk [tilespmem:v11+s23+$0x0], $0xffff  }
0x1ab: {  	[tilespmem:s25+$0xFFFFFF70] =	vst v7;
	v3 =	vld.idx.msk [tilespmem:v12+s23+$0x0], $0xffff  }
0x1ac: {  	[tilespmem:s25+$0xFFFFFF00] =	vst v14;
	v4 =	vld.idx.msk [tilespmem:v13+s23+$0x0], $0xffff  }
0x1ad: {  	s28 =	sadd.s32 $0x100, s28;
	[tilespmem:s25+$0x0] =	vst v8;
	v5 =	vld.idx.msk [tilespmem:v6+s23+$0x0], $0xffff  }
0x1ae: {  	[tilespmem:s25+$0x10] =	vst v0  }
0x1af: {  	[tilespmem:s25+$0x20] =	vst v1  }
0x1b0: {  	[tilespmem:s25+$0x30] =	vst v2  }
0x1b1: {  	[tilespmem:s25+$0x40] =	vst v3  }
0x1b2: {  	[tilespmem:s25+$0x50] =	vst v4  }
0x1b3: {  	s26 =	simm.s32 $0x1CB00;
	[tilespmem:s25+$0x60] =	vst v5;
	s25 =	simm.s32 $0x0  }
.LBB2_22:
0x1b4: {  	p1 =	sne.s32 s25, $0xF80  }
.Ltmp13:
0x1b5: {  	_ = 	snop;
	(pc) =	sbr.rel @p1 .LBB2_22-.Ltmp13, $4  }
0x1b6: {  	_ = 	snop  }
0x1b7: {  	s28 =	sadd.s32 s25, s6  }
0x1b8: {  	[hbm4b:s28+s4] =	stream.linear.scatter [tilespmem:s26], [sflag:$0x3], $0x80, $0x38;
	[tilespmem:$0x1EB00] =	vst v63  }
0x1b9: {  	s25 =	sadd.s32 $0x80, s25;
	s26 =	sadd.s32 $0x100, s26  }
0x1ba: {  	s25 =	simm.s32 $0x19BF0  }
0x1bb: {  	v0 =	vld [tilespmem:s25+$0x0]  }
0x1bc: {  	v1 =	vld [tilespmem:s25+$0xFFFFFF20]  }
0x1bd: {  	v2 =	vld [tilespmem:s25+$0xFFFFFF30]  }
0x1be: {  	v3 =	vld [tilespmem:s25+$0xFFFFFF40]  }
0x1bf: {  	v4 =	vld [tilespmem:s25+$0xFFFFFF50]  }
0x1c0: {  	v5 =	vld [tilespmem:s25+$0xFFFFFF60]  }
0x1c1: {  	v6 =	vld [tilespmem:s25+$0xFFFFFF70]  }
0x1c2: {  	v7 =	vld [tilespmem:s25+$0xFFFFFF80]  }
0x1c3: {  	v8 =	vld [tilespmem:s25+$0xFFFFFF90]  }
0x1c4: {  	v9 =	vld [tilespmem:s25+$0xFFFFFFA0]  }
0x1c5: {  	v10 =	vld [tilespmem:s25+$0xFFFFFFB0]  }
0x1c6: {  	v11 =	vld [tilespmem:s25+$0xFFFFFFC0]  }
0x1c7: {  	v12 =	vld [tilespmem:s25+$0xFFFFFFD0]  }
0x1c8: {  	v13 =	vld [tilespmem:s25+$0xFFFFFFE0]  }
0x1c9: {  	v14 =	vld [tilespmem:s25+$0xFFFFFFF0]  }
0x1ca: {  	v15 =	vld [tilespmem:s25+$0xFFFFFF10]  }
0x1cb: {  	v0 =	vld.idx.msk [tilespmem:v0+s23+$0x0], $0xffff  }
0x1cc: {  	v1 =	vld.idx.msk [tilespmem:v1+s23+$0x0], $0xffff  }
0x1cd: {  	v2 =	vld.idx.msk [tilespmem:v2+s23+$0x0], $0xffff  }
0x1ce: {  	v3 =	vld.idx.msk [tilespmem:v3+s23+$0x0], $0xffff  }
0x1cf: {  	v4 =	vld.idx.msk [tilespmem:v4+s23+$0x0], $0xffff  }
0x1d0: {  	s25 =	simm.s32 $0x1CC80;
	v5 =	vld.idx.msk [tilespmem:v5+s23+$0x0], $0xffff  }
0x1d1: {  	v6 =	vld.idx.msk [tilespmem:v6+s23+$0x0], $0xffff;
	[tilespmem:s25+$0x70] =	vst v0  }
0x1d2: {  	v7 =	vld.idx.msk [tilespmem:v7+s23+$0x0], $0xffff;
	[tilespmem:s25+$0xFFFFFF10] =	vst v1  }
0x1d3: {  	v15 =	vld.idx.msk [tilespmem:v15+s23+$0x0], $0xffff;
	[tilespmem:s25+$0xFFFFFF20] =	vst v2  }
0x1d4: {  	v8 =	vld.idx.msk [tilespmem:v8+s23+$0x0], $0xffff;
	[tilespmem:s25+$0xFFFFFF30] =	vst v3  }
0x1d5: {  	[tilespmem:s25+$0xFFFFFF40] =	vst v4;
	v0 =	vld.idx.msk [tilespmem:v9+s23+$0x0], $0xffff  }
0x1d6: {  	[tilespmem:s25+$0xFFFFFF50] =	vst v5;
	v1 =	vld.idx.msk [tilespmem:v10+s23+$0x0], $0xffff  }
0x1d7: {  	[tilespmem:s25+$0xFFFFFF60] =	vst v6;
	v2 =	vld.idx.msk [tilespmem:v11+s23+$0x0], $0xffff  }
0x1d8: {  	[tilespmem:s25+$0xFFFFFF70] =	vst v7;
	v3 =	vld.idx.msk [tilespmem:v12+s23+$0x0], $0xffff  }
0x1d9: {  	[tilespmem:s25+$0xFFFFFF00] =	vst v15;
	v4 =	vld.idx.msk [tilespmem:v13+s23+$0x0], $0xffff  }
0x1da: {  	s26 =	simm.s32 $0x0;
	s28 =	simm.s32 $0x19CF0;
	[tilespmem:s25+$0x0] =	vst v8;
	v5 =	vld.idx.msk [tilespmem:v14+s23+$0x0], $0xffff  }
.LBB2_24:
0x1db: {  	v6 =	vld [tilespmem:s28+$0x0];
	s26 =	sadd.s32 $0x100, s26;
	[tilespmem:s25+$0x10] =	vst v0  }
0x1dc: {  	v0 =	vld [tilespmem:s28+$0xFFFFFF20];
	p1 =	slt.u32 s26, $0xF00;
	[tilespmem:s25+$0x20] =	vst v1  }
0x1dd: {  	v1 =	vld [tilespmem:s28+$0xFFFFFF30];
	[tilespmem:s25+$0x30] =	vst v2  }
0x1de: {  	v2 =	vld [tilespmem:s28+$0xFFFFFF40];
	[tilespmem:s25+$0x40] =	vst v3  }
0x1df: {  	v3 =	vld [tilespmem:s28+$0xFFFFFF50];
	[tilespmem:s25+$0x50] =	vst v4  }
0x1e0: {  	v4 =	vld [tilespmem:s28+$0xFFFFFF60];
	[tilespmem:s25+$0x60] =	vst v5  }
0x1e1: {  	v5 =	vld [tilespmem:s28+$0xFFFFFF70]  }
0x1e2: {  	v7 =	vld [tilespmem:s28+$0xFFFFFF80]  }
0x1e3: {  	v6 =	vld.idx.msk [tilespmem:v6+s23+$0x0], $0xffff  }
0x1e4: {  	v8 =	vld [tilespmem:s28+$0xFFFFFF90]  }
0x1e5: {  	v9 =	vld [tilespmem:s28+$0xFFFFFFA0]  }
0x1e6: {  	v10 =	vld [tilespmem:s28+$0xFFFFFFB0]  }
0x1e7: {  	v11 =	vld [tilespmem:s28+$0xFFFFFFC0]  }
0x1e8: {  	s25 =	sadd.s32 $0x200, s25;
	v12 =	vld [tilespmem:s28+$0xFFFFFFD0]  }
0x1e9: {  	v13 =	vld [tilespmem:s28+$0xFFFFFFE0];
	[tilespmem:s25+$0x70] =	vst v6  }
0x1ea: {  	v6 =	vld [tilespmem:s28+$0xFFFFFFF0]  }
0x1eb: {  	v14 =	vld [tilespmem:s28+$0xFFFFFF10]  }
0x1ec: {  	v0 =	vld.idx.msk [tilespmem:v0+s23+$0x0], $0xffff  }
0x1ed: {  	v1 =	vld.idx.msk [tilespmem:v1+s23+$0x0], $0xffff  }
0x1ee: {  	v2 =	vld.idx.msk [tilespmem:v2+s23+$0x0], $0xffff  }
0x1ef: {  	v3 =	vld.idx.msk [tilespmem:v3+s23+$0x0], $0xffff  }
0x1f0: {  	v4 =	vld.idx.msk [tilespmem:v4+s23+$0x0], $0xffff  }
0x1f1: {  	v5 =	vld.idx.msk [tilespmem:v5+s23+$0x0], $0xffff  }
0x1f2: {  	[tilespmem:s25+$0xFFFFFF10] =	vst v0;
	v7 =	vld.idx.msk [tilespmem:v7+s23+$0x0], $0xffff  }
0x1f3: {  	v14 =	vld.idx.msk [tilespmem:v14+s23+$0x0], $0xffff;
	[tilespmem:s25+$0xFFFFFF20] =	vst v1  }
0x1f4: {  	[tilespmem:s25+$0xFFFFFF30] =	vst v2;
	v8 =	vld.idx.msk [tilespmem:v8+s23+$0x0], $0xffff  }
0x1f5: {  	[tilespmem:s25+$0xFFFFFF40] =	vst v3;
	v0 =	vld.idx.msk [tilespmem:v9+s23+$0x0], $0xffff  }
.Ltmp14:
0x1f6: {  	[tilespmem:s25+$0xFFFFFF50] =	vst v4;
	v1 =	vld.idx.msk [tilespmem:v10+s23+$0x0], $0xffff;
	(pc) =	sbr.rel @p1 .LBB2_24-.Ltmp14, $4  }
0x1f7: {  	[tilespmem:s25+$0xFFFFFF60] =	vst v5;
	v2 =	vld.idx.msk [tilespmem:v11+s23+$0x0], $0xffff  }
0x1f8: {  	[tilespmem:s25+$0xFFFFFF70] =	vst v7;
	v3 =	vld.idx.msk [tilespmem:v12+s23+$0x0], $0xffff  }
0x1f9: {  	[tilespmem:s25+$0xFFFFFF00] =	vst v14;
	v4 =	vld.idx.msk [tilespmem:v13+s23+$0x0], $0xffff  }
0x1fa: {  	s28 =	sadd.s32 $0x100, s28;
	[tilespmem:s25+$0x0] =	vst v8;
	v5 =	vld.idx.msk [tilespmem:v6+s23+$0x0], $0xffff  }
0x1fb: {  	[tilespmem:s25+$0x10] =	vst v0  }
0x1fc: {  	[tilespmem:s25+$0x20] =	vst v1  }
0x1fd: {  	[tilespmem:s25+$0x30] =	vst v2  }
0x1fe: {  	[tilespmem:s25+$0x40] =	vst v3  }
0x1ff: {  	s26 =	simm.s32 $0x1CB80;
	[tilespmem:s25+$0x50] =	vst v4  }
0x200: {  	s29 =	sadd.s32 $0x0, s7;
	s28 =	simm.s32 $0x1CC80;
	[tilespmem:s25+$0x60] =	vst v5;
	s25 =	simm.s32 $0x80  }
.LBB2_26:
0x201: {  	[hbm4b:s29+s4] =	stream.linear.scatter [tilespmem:s26], [sflag:$0x4], $0x80, $0x38;
	[tilespmem:$0x1EB00] =	vst v63  }
0x202: {  	s29 =	smov.u32 s25;
	s26 =	smov.u32 s28;
	p1 =	sne.s32 s25, $0xF80  }
.Ltmp15:
0x203: {  	s25 =	sadd.s32 $0x80, s25;
	(pc) =	sbr.rel @p1 .LBB2_26-.Ltmp15, $2  }
0x204: {  	_ =	sdelay $0x2  }
0x205: {  	s28 =	sadd.s32 $0x100, s28;
	s29 =	sadd.s32 s29, s7  }
0x206: {  	[hbm4b:s29+s4] =	stream.linear.scatter [tilespmem:s26], [sflag:$0x4], $0x80, $0x38;
	[tilespmem:$0x1EB00] =	vst v63  }
0x207: {  	_ =	swait.ge [sflag:s21], $0x1000  }
0x208: {  	[sflag:s21] =	ssyncset.done $0x0  }
0x209: {  	s25 =	simm.s32 $0x1ABF0;
	[sflag:s21] =	ssyncadd.s32 $0xFFFFF000  }
0x20a: {  	v0 =	vld [tilespmem:s25+$0x0]  }
0x20b: {  	v1 =	vld [tilespmem:s25+$0xFFFFFF20]  }
0x20c: {  	v2 =	vld [tilespmem:s25+$0xFFFFFF30]  }
0x20d: {  	v3 =	vld [tilespmem:s25+$0xFFFFFF40]  }
0x20e: {  	v4 =	vld [tilespmem:s25+$0xFFFFFF50]  }
0x20f: {  	v5 =	vld [tilespmem:s25+$0xFFFFFF60]  }
0x210: {  	v6 =	vld [tilespmem:s25+$0xFFFFFF70]  }
0x211: {  	v7 =	vld [tilespmem:s25+$0xFFFFFF80]  }
0x212: {  	v8 =	vld [tilespmem:s25+$0xFFFFFF90]  }
0x213: {  	v9 =	vld [tilespmem:s25+$0xFFFFFFA0]  }
0x214: {  	v10 =	vld [tilespmem:s25+$0xFFFFFFB0]  }
0x215: {  	v11 =	vld [tilespmem:s25+$0xFFFFFFC0]  }
0x216: {  	v12 =	vld [tilespmem:s25+$0xFFFFFFD0]  }
0x217: {  	v13 =	vld [tilespmem:s25+$0xFFFFFFE0]  }
0x218: {  	v14 =	vld [tilespmem:s25+$0xFFFFFFF0]  }
0x219: {  	v15 =	vld [tilespmem:s25+$0xFFFFFF10]  }
0x21a: {  	v0 =	vld.idx.msk [tilespmem:v0+s23+$0x0], $0xffff  }
0x21b: {  	v1 =	vld.idx.msk [tilespmem:v1+s23+$0x0], $0xffff  }
0x21c: {  	v2 =	vld.idx.msk [tilespmem:v2+s23+$0x0], $0xffff  }
0x21d: {  	v3 =	vld.idx.msk [tilespmem:v3+s23+$0x0], $0xffff  }
0x21e: {  	v4 =	vld.idx.msk [tilespmem:v4+s23+$0x0], $0xffff  }
0x21f: {  	s25 =	simm.s32 $0x1CC00;
	v5 =	vld.idx.msk [tilespmem:v5+s23+$0x0], $0xffff  }
0x220: {  	v6 =	vld.idx.msk [tilespmem:v6+s23+$0x0], $0xffff;
	[tilespmem:s25+$0x70] =	vst v0  }
0x221: {  	v7 =	vld.idx.msk [tilespmem:v7+s23+$0x0], $0xffff;
	[tilespmem:s25+$0xFFFFFF10] =	vst v1  }
0x222: {  	v15 =	vld.idx.msk [tilespmem:v15+s23+$0x0], $0xffff;
	[tilespmem:s25+$0xFFFFFF20] =	vst v2  }
0x223: {  	v8 =	vld.idx.msk [tilespmem:v8+s23+$0x0], $0xffff;
	[tilespmem:s25+$0xFFFFFF30] =	vst v3  }
0x224: {  	[tilespmem:s25+$0xFFFFFF40] =	vst v4;
	v0 =	vld.idx.msk [tilespmem:v9+s23+$0x0], $0xffff  }
0x225: {  	[tilespmem:s25+$0xFFFFFF50] =	vst v5;
	v1 =	vld.idx.msk [tilespmem:v10+s23+$0x0], $0xffff  }
0x226: {  	[tilespmem:s25+$0xFFFFFF60] =	vst v6;
	v2 =	vld.idx.msk [tilespmem:v11+s23+$0x0], $0xffff  }
0x227: {  	[tilespmem:s25+$0xFFFFFF70] =	vst v7;
	v3 =	vld.idx.msk [tilespmem:v12+s23+$0x0], $0xffff  }
0x228: {  	[tilespmem:s25+$0xFFFFFF00] =	vst v15;
	v4 =	vld.idx.msk [tilespmem:v13+s23+$0x0], $0xffff  }
0x229: {  	s26 =	simm.s32 $0x0;
	s28 =	simm.s32 $0x1ACF0;
	[tilespmem:s25+$0x0] =	vst v8;
	v5 =	vld.idx.msk [tilespmem:v14+s23+$0x0], $0xffff  }
.LBB2_28:
0x22a: {  	v6 =	vld [tilespmem:s28+$0x0];
	s26 =	sadd.s32 $0x100, s26;
	[tilespmem:s25+$0x10] =	vst v0  }
0x22b: {  	v0 =	vld [tilespmem:s28+$0xFFFFFF20];
	p1 =	slt.u32 s26, $0xF00;
	[tilespmem:s25+$0x20] =	vst v1  }
0x22c: {  	v1 =	vld [tilespmem:s28+$0xFFFFFF30];
	[tilespmem:s25+$0x30] =	vst v2  }
0x22d: {  	v2 =	vld [tilespmem:s28+$0xFFFFFF40];
	[tilespmem:s25+$0x40] =	vst v3  }
0x22e: {  	v3 =	vld [tilespmem:s28+$0xFFFFFF50];
	[tilespmem:s25+$0x50] =	vst v4  }
0x22f: {  	v4 =	vld [tilespmem:s28+$0xFFFFFF60];
	[tilespmem:s25+$0x60] =	vst v5  }
0x230: {  	v5 =	vld [tilespmem:s28+$0xFFFFFF70]  }
0x231: {  	v7 =	vld [tilespmem:s28+$0xFFFFFF80]  }
0x232: {  	v6 =	vld.idx.msk [tilespmem:v6+s23+$0x0], $0xffff  }
0x233: {  	v8 =	vld [tilespmem:s28+$0xFFFFFF90]  }
0x234: {  	v9 =	vld [tilespmem:s28+$0xFFFFFFA0]  }
0x235: {  	v10 =	vld [tilespmem:s28+$0xFFFFFFB0]  }
0x236: {  	v11 =	vld [tilespmem:s28+$0xFFFFFFC0]  }
0x237: {  	s25 =	sadd.s32 $0x200, s25;
	v12 =	vld [tilespmem:s28+$0xFFFFFFD0]  }
0x238: {  	v13 =	vld [tilespmem:s28+$0xFFFFFFE0];
	[tilespmem:s25+$0x70] =	vst v6  }
0x239: {  	v6 =	vld [tilespmem:s28+$0xFFFFFFF0]  }
0x23a: {  	v14 =	vld [tilespmem:s28+$0xFFFFFF10]  }
0x23b: {  	v0 =	vld.idx.msk [tilespmem:v0+s23+$0x0], $0xffff  }
0x23c: {  	v1 =	vld.idx.msk [tilespmem:v1+s23+$0x0], $0xffff  }
0x23d: {  	v2 =	vld.idx.msk [tilespmem:v2+s23+$0x0], $0xffff  }
0x23e: {  	v3 =	vld.idx.msk [tilespmem:v3+s23+$0x0], $0xffff  }
0x23f: {  	v4 =	vld.idx.msk [tilespmem:v4+s23+$0x0], $0xffff  }
0x240: {  	v5 =	vld.idx.msk [tilespmem:v5+s23+$0x0], $0xffff  }
0x241: {  	[tilespmem:s25+$0xFFFFFF10] =	vst v0;
	v7 =	vld.idx.msk [tilespmem:v7+s23+$0x0], $0xffff  }
0x242: {  	v14 =	vld.idx.msk [tilespmem:v14+s23+$0x0], $0xffff;
	[tilespmem:s25+$0xFFFFFF20] =	vst v1  }
0x243: {  	[tilespmem:s25+$0xFFFFFF30] =	vst v2;
	v8 =	vld.idx.msk [tilespmem:v8+s23+$0x0], $0xffff  }
0x244: {  	[tilespmem:s25+$0xFFFFFF40] =	vst v3;
	v0 =	vld.idx.msk [tilespmem:v9+s23+$0x0], $0xffff  }
.Ltmp16:
0x245: {  	[tilespmem:s25+$0xFFFFFF50] =	vst v4;
	v1 =	vld.idx.msk [tilespmem:v10+s23+$0x0], $0xffff;
	(pc) =	sbr.rel @p1 .LBB2_28-.Ltmp16, $4  }
0x246: {  	[tilespmem:s25+$0xFFFFFF60] =	vst v5;
	v2 =	vld.idx.msk [tilespmem:v11+s23+$0x0], $0xffff  }
0x247: {  	[tilespmem:s25+$0xFFFFFF70] =	vst v7;
	v3 =	vld.idx.msk [tilespmem:v12+s23+$0x0], $0xffff  }
0x248: {  	[tilespmem:s25+$0xFFFFFF00] =	vst v14;
	v4 =	vld.idx.msk [tilespmem:v13+s23+$0x0], $0xffff  }
0x249: {  	s28 =	sadd.s32 $0x100, s28;
	[tilespmem:s25+$0x0] =	vst v8;
	v5 =	vld.idx.msk [tilespmem:v6+s23+$0x0], $0xffff  }
0x24a: {  	[tilespmem:s25+$0x10] =	vst v0  }
0x24b: {  	[tilespmem:s25+$0x20] =	vst v1  }
0x24c: {  	[tilespmem:s25+$0x30] =	vst v2  }
0x24d: {  	[tilespmem:s25+$0x40] =	vst v3  }
0x24e: {  	s26 =	simm.s32 $0x1CB00;
	[tilespmem:s25+$0x50] =	vst v4  }
0x24f: {  	s29 =	sadd.s32 $0x0, s8;
	s28 =	simm.s32 $0x1CC00;
	[tilespmem:s25+$0x60] =	vst v5;
	s25 =	simm.s32 $0x80  }
.LBB2_30:
0x250: {  	[hbm4b:s29+s4] =	stream.linear.scatter [tilespmem:s26], [sflag:$0x3], $0x80, $0x38;
	[tilespmem:$0x1EB00] =	vst v63  }
0x251: {  	s29 =	smov.u32 s25;
	s26 =	smov.u32 s28;
	p1 =	sne.s32 s25, $0xF80  }
.Ltmp17:
0x252: {  	s25 =	sadd.s32 $0x80, s25;
	(pc) =	sbr.rel @p1 .LBB2_30-.Ltmp17, $2  }
0x253: {  	_ =	sdelay $0x2  }
0x254: {  	s28 =	sadd.s32 $0x100, s28;
	s29 =	sadd.s32 s29, s8  }
0x255: {  	[hbm4b:s29+s4] =	stream.linear.scatter [tilespmem:s26], [sflag:$0x3], $0x80, $0x38;
	[tilespmem:$0x1EB00] =	vst v63  }
0x256: {  	_ =	swait.ge [sflag:s22], $0x1000  }
0x257: {  	[sflag:s22] =	ssyncset.done $0x0  }
0x258: {  	s25 =	simm.s32 $0x1BBF0;
	[sflag:s22] =	ssyncadd.s32 $0xFFFFF000  }
0x259: {  	v0 =	vld [tilespmem:s25+$0x0]  }
0x25a: {  	v1 =	vld [tilespmem:s25+$0xFFFFFF20]  }
0x25b: {  	v2 =	vld [tilespmem:s25+$0xFFFFFF30]  }
0x25c: {  	v3 =	vld [tilespmem:s25+$0xFFFFFF40]  }
0x25d: {  	v4 =	vld [tilespmem:s25+$0xFFFFFF50]  }
0x25e: {  	v5 =	vld [tilespmem:s25+$0xFFFFFF60]  }
0x25f: {  	v6 =	vld [tilespmem:s25+$0xFFFFFF70]  }
0x260: {  	v7 =	vld [tilespmem:s25+$0xFFFFFF80]  }
0x261: {  	v8 =	vld [tilespmem:s25+$0xFFFFFF90]  }
0x262: {  	v9 =	vld [tilespmem:s25+$0xFFFFFFA0]  }
0x263: {  	v10 =	vld [tilespmem:s25+$0xFFFFFFB0]  }
0x264: {  	v11 =	vld [tilespmem:s25+$0xFFFFFFC0]  }
0x265: {  	v12 =	vld [tilespmem:s25+$0xFFFFFFD0]  }
0x266: {  	v13 =	vld [tilespmem:s25+$0xFFFFFFE0]  }
0x267: {  	v14 =	vld [tilespmem:s25+$0xFFFFFFF0]  }
0x268: {  	v15 =	vld [tilespmem:s25+$0xFFFFFF10]  }
0x269: {  	v0 =	vld.idx.msk [tilespmem:v0+s23+$0x0], $0xffff  }
0x26a: {  	v1 =	vld.idx.msk [tilespmem:v1+s23+$0x0], $0xffff  }
0x26b: {  	v2 =	vld.idx.msk [tilespmem:v2+s23+$0x0], $0xffff  }
0x26c: {  	v3 =	vld.idx.msk [tilespmem:v3+s23+$0x0], $0xffff  }
0x26d: {  	v4 =	vld.idx.msk [tilespmem:v4+s23+$0x0], $0xffff  }
0x26e: {  	s25 =	simm.s32 $0x1CC80;
	v5 =	vld.idx.msk [tilespmem:v5+s23+$0x0], $0xffff  }
0x26f: {  	v6 =	vld.idx.msk [tilespmem:v6+s23+$0x0], $0xffff;
	[tilespmem:s25+$0x70] =	vst v0  }
0x270: {  	v7 =	vld.idx.msk [tilespmem:v7+s23+$0x0], $0xffff;
	[tilespmem:s25+$0xFFFFFF10] =	vst v1  }
0x271: {  	v15 =	vld.idx.msk [tilespmem:v15+s23+$0x0], $0xffff;
	[tilespmem:s25+$0xFFFFFF20] =	vst v2  }
0x272: {  	v8 =	vld.idx.msk [tilespmem:v8+s23+$0x0], $0xffff;
	[tilespmem:s25+$0xFFFFFF30] =	vst v3  }
0x273: {  	[tilespmem:s25+$0xFFFFFF40] =	vst v4;
	v0 =	vld.idx.msk [tilespmem:v9+s23+$0x0], $0xffff  }
0x274: {  	[tilespmem:s25+$0xFFFFFF50] =	vst v5;
	v1 =	vld.idx.msk [tilespmem:v10+s23+$0x0], $0xffff  }
0x275: {  	[tilespmem:s25+$0xFFFFFF60] =	vst v6;
	v2 =	vld.idx.msk [tilespmem:v11+s23+$0x0], $0xffff  }
0x276: {  	[tilespmem:s25+$0xFFFFFF70] =	vst v7;
	v3 =	vld.idx.msk [tilespmem:v12+s23+$0x0], $0xffff  }
0x277: {  	[tilespmem:s25+$0xFFFFFF00] =	vst v15;
	v4 =	vld.idx.msk [tilespmem:v13+s23+$0x0], $0xffff  }
0x278: {  	s26 =	simm.s32 $0x0;
	s28 =	simm.s32 $0x1BCF0;
	[tilespmem:s25+$0x0] =	vst v8;
	v5 =	vld.idx.msk [tilespmem:v14+s23+$0x0], $0xffff  }
.LBB2_32:
0x279: {  	v6 =	vld [tilespmem:s28+$0x0];
	s26 =	sadd.s32 $0x100, s26;
	[tilespmem:s25+$0x10] =	vst v0  }
0x27a: {  	v0 =	vld [tilespmem:s28+$0xFFFFFF20];
	p1 =	slt.u32 s26, $0xF00;
	[tilespmem:s25+$0x20] =	vst v1  }
0x27b: {  	v1 =	vld [tilespmem:s28+$0xFFFFFF30];
	[tilespmem:s25+$0x30] =	vst v2  }
0x27c: {  	v2 =	vld [tilespmem:s28+$0xFFFFFF40];
	[tilespmem:s25+$0x40] =	vst v3  }
0x27d: {  	v3 =	vld [tilespmem:s28+$0xFFFFFF50];
	[tilespmem:s25+$0x50] =	vst v4  }
0x27e: {  	v4 =	vld [tilespmem:s28+$0xFFFFFF60];
	[tilespmem:s25+$0x60] =	vst v5  }
0x27f: {  	v5 =	vld [tilespmem:s28+$0xFFFFFF70]  }
0x280: {  	v7 =	vld [tilespmem:s28+$0xFFFFFF80]  }
0x281: {  	v6 =	vld.idx.msk [tilespmem:v6+s23+$0x0], $0xffff  }
0x282: {  	v8 =	vld [tilespmem:s28+$0xFFFFFF90]  }
0x283: {  	v9 =	vld [tilespmem:s28+$0xFFFFFFA0]  }
0x284: {  	v10 =	vld [tilespmem:s28+$0xFFFFFFB0]  }
0x285: {  	v11 =	vld [tilespmem:s28+$0xFFFFFFC0]  }
0x286: {  	s25 =	sadd.s32 $0x200, s25;
	v12 =	vld [tilespmem:s28+$0xFFFFFFD0]  }
0x287: {  	v13 =	vld [tilespmem:s28+$0xFFFFFFE0];
	[tilespmem:s25+$0x70] =	vst v6  }
0x288: {  	v6 =	vld [tilespmem:s28+$0xFFFFFFF0]  }
0x289: {  	v14 =	vld [tilespmem:s28+$0xFFFFFF10]  }
0x28a: {  	v0 =	vld.idx.msk [tilespmem:v0+s23+$0x0], $0xffff  }
0x28b: {  	v1 =	vld.idx.msk [tilespmem:v1+s23+$0x0], $0xffff  }
0x28c: {  	v2 =	vld.idx.msk [tilespmem:v2+s23+$0x0], $0xffff  }
0x28d: {  	v3 =	vld.idx.msk [tilespmem:v3+s23+$0x0], $0xffff  }
0x28e: {  	v4 =	vld.idx.msk [tilespmem:v4+s23+$0x0], $0xffff  }
0x28f: {  	v5 =	vld.idx.msk [tilespmem:v5+s23+$0x0], $0xffff  }
0x290: {  	[tilespmem:s25+$0xFFFFFF10] =	vst v0;
	v7 =	vld.idx.msk [tilespmem:v7+s23+$0x0], $0xffff  }
0x291: {  	v14 =	vld.idx.msk [tilespmem:v14+s23+$0x0], $0xffff;
	[tilespmem:s25+$0xFFFFFF20] =	vst v1  }
0x292: {  	[tilespmem:s25+$0xFFFFFF30] =	vst v2;
	v8 =	vld.idx.msk [tilespmem:v8+s23+$0x0], $0xffff  }
0x293: {  	[tilespmem:s25+$0xFFFFFF40] =	vst v3;
	v0 =	vld.idx.msk [tilespmem:v9+s23+$0x0], $0xffff  }
.Ltmp18:
0x294: {  	[tilespmem:s25+$0xFFFFFF50] =	vst v4;
	v1 =	vld.idx.msk [tilespmem:v10+s23+$0x0], $0xffff;
	(pc) =	sbr.rel @p1 .LBB2_32-.Ltmp18, $4  }
0x295: {  	[tilespmem:s25+$0xFFFFFF60] =	vst v5;
	v2 =	vld.idx.msk [tilespmem:v11+s23+$0x0], $0xffff  }
0x296: {  	[tilespmem:s25+$0xFFFFFF70] =	vst v7;
	v3 =	vld.idx.msk [tilespmem:v12+s23+$0x0], $0xffff  }
0x297: {  	[tilespmem:s25+$0xFFFFFF00] =	vst v14;
	v4 =	vld.idx.msk [tilespmem:v13+s23+$0x0], $0xffff  }
0x298: {  	s28 =	sadd.s32 $0x100, s28;
	[tilespmem:s25+$0x0] =	vst v8;
	v5 =	vld.idx.msk [tilespmem:v6+s23+$0x0], $0xffff  }
0x299: {  	[tilespmem:s25+$0x10] =	vst v0  }
0x29a: {  	[tilespmem:s25+$0x20] =	vst v1  }
0x29b: {  	[tilespmem:s25+$0x30] =	vst v2  }
0x29c: {  	[tilespmem:s25+$0x40] =	vst v3  }
0x29d: {  	s26 =	simm.s32 $0x1CB80;
	[tilespmem:s25+$0x50] =	vst v4  }
0x29e: {  	s29 =	sadd.s32 $0x0, s9;
	s28 =	simm.s32 $0x1CC80;
	[tilespmem:s25+$0x60] =	vst v5;
	s25 =	simm.s32 $0x80  }
.LBB2_34:
0x29f: {  	[hbm4b:s29+s4] =	stream.linear.scatter [tilespmem:s26], [sflag:$0x4], $0x80, $0x38;
	[tilespmem:$0x1EB00] =	vst v63  }
0x2a0: {  	s29 =	smov.u32 s25;
	s26 =	smov.u32 s28;
	p1 =	sne.s32 s25, $0xF80  }
.Ltmp19:
0x2a1: {  	s25 =	sadd.s32 $0x80, s25;
	(pc) =	sbr.rel @p1 .LBB2_34-.Ltmp19, $2  }
0x2a2: {  	_ =	sdelay $0x2  }
0x2a3: {  	s28 =	sadd.s32 $0x100, s28;
	s29 =	sadd.s32 s29, s9  }
.Ltmp20:
0x2a4: {  	_ = 	snop;
	(pc) =	sbr.rel .LBB2_35-.Ltmp20, $1  }
0x2a5: {  	_ =	sdelay $0x3  }
.LBB2_37:
0x2a6: {  	_ =	sfence.sel $0x180000  }
0x2a7: {  	[bflag:$0x0] =	sbarrier.arrive $0xFFFF  }
0x2a8: {  	p0 =	sne.s32 s3, $0x0;
	_ =	strace $0x90000047  }
0x2a9: {  	s0 =	sadd.s32 @!p0 $0x100000, s0;
	[bflag:$0x2] =	sbarrier.arrive $0xFFFF  }
0x2aa: {  	[sflag:s0] =	ssyncadd.tile.s32 @!p0 $0x1;
	_ =	shalt  }
.Lfunc_end2:
_tile_overlayer_lowered:
.L_overlay_start_2:
0x2ab: {  	(tag) =	ssettag $0x2  }
0x2ac: {  	s0 =	rddreg [dreg:$0x0];
	s2 =	stileid.u32  }
0x2ad: {  	s1 =	rddreg [dreg:$0x1];
	p0 =	sne.s32 s2, $0x0  }
0x2ae: {  	s3 =	rddreg [dreg:$0x2];
	[bflag:$0x3] =	sbarrier.arrive $0xFFFF;
	s2 =	simm.s32 @!p0 $0x1C05  }
0x2af: {  	[timem:s3], [sflag:s2] =	dma.local @!p0 [hbm:s0], s1  }
0x2b0: {  	s0 =	simm.s32 @!p0 $0x5  }
0x2b1: {  	_ =	swait.ge @!p0 [sflag:s0], s1  }
0x2b2: {  	s1 =	ssub.s32 @!p0 $0x0, s1;
	[sflag:s0] =	ssyncset.done @!p0 $0x0  }
0x2b3: {  	[sflag:s0] =	ssyncadd.s32 @!p0 s1  }
0x2b4: {  	[bflag:$0x3] =	sbarrier.arrive $0xFFFF  }
0x2b5: {  	_ =	shalt  }

</sc_bundles>
